<compile_context>
chip_gen: v7x
topology: tpu7x:2x2x1
jax: 0.10.2.dev20260603
libtpu: 0.0.44.dev20260713+nightly
codegen_flags: <defaults>
</compile_context>

<pallas_src>
import dataclasses
import functools

import jax
import jax.numpy as jnp
from jax import lax
from jax.experimental import pallas as pl
from jax.experimental.pallas import tpu as pltpu
from jax.experimental.pallas import tpu_sc as plsc

B = 128
IN_F = 4096
OUT_F = 4096
GMAX = 4
PER_GROUP = 32
K_PER_ROW = GMAX * PER_GROUP

NC = 2
NS = 16
NW = NC * NS
L = 16

PARTS = 2
ROWS_P = OUT_F // PARTS
ROWS_PER_W = ROWS_P // NW
IDX_PER_W = ROWS_PER_W * K_PER_ROW


def _sc_compiler_params():
    cp = pltpu.CompilerParams()
    if "needs_layout_passes" in pltpu.CompilerParams.__dataclass_fields__:
        cp = dataclasses.replace(cp, needs_layout_passes=False)
    return cp


def _build_a_part(col_idx, means_flat, part):
    mesh = plsc.VectorSubcoreMesh(core_axis_name="c", subcore_axis_name="s")

    @functools.partial(
        pl.kernel,
        out_type=jax.ShapeDtypeStruct((ROWS_P, IN_F), jnp.float32),
        mesh=mesh,
        scratch_types=[
            pltpu.VMEM((IDX_PER_W,), jnp.int32),
            pltpu.VMEM((ROWS_PER_W * GMAX,), jnp.float32),
            pltpu.VMEM((IDX_PER_W,), jnp.float32),
            pltpu.VMEM((IN_F,), jnp.float32),
            pltpu.VMEM((IN_F,), jnp.float32),
            pltpu.SemaphoreType.DMA,
            pltpu.SemaphoreType.DMA,
        ],
        compiler_params=_sc_compiler_params(),
    )
    def build(idx_hbm, m_hbm, a_hbm, idx_v, m_v, w_v, buf0, buf1, sem0, sem1):
        wid = lax.axis_index("s") * NC + lax.axis_index("c")
        grow0 = part * ROWS_P + wid * ROWS_PER_W
        row0 = wid * ROWS_PER_W
        pltpu.sync_copy(idx_hbm.at[pl.ds(grow0 * K_PER_ROW, IDX_PER_W)], idx_v)
        pltpu.sync_copy(m_hbm.at[pl.ds(grow0 * GMAX, ROWS_PER_W * GMAX)], m_v)

        @pl.loop(0, ROWS_PER_W * GMAX)
        def _(s):
            sidx = jnp.broadcast_to(s, (L,)).astype(jnp.int32)
            wsp = plsc.load_gather(m_v, [sidx])
            w_v[pl.ds(s * PER_GROUP, L)] = wsp
            w_v[pl.ds(s * PER_GROUP + L, L)] = wsp

        zeros = jnp.zeros((L,), jnp.float32)

        @pl.loop(0, IN_F, step=L)
        def _(i):
            buf0[pl.ds(i, L)] = zeros
            buf1[pl.ds(i, L)] = zeros

        bufs = (buf0, buf1)
        sems = (sem0, sem1)

        def scatter_row(r, buf):
            for k in range(K_PER_ROW // L):
                off = r * K_PER_ROW + k * L
                idx = idx_v[pl.ds(off, L)]
                w = w_v[pl.ds(off, L)]
                plsc.addupdate_scatter(buf, [idx], w)

        def clear_row(r, buf):
            for k in range(K_PER_ROW // L):
                off = r * K_PER_ROW + k * L
                idx = idx_v[pl.ds(off, L)]
                plsc.store_scatter(buf, [idx], zeros)

        for s in range(2):
            scatter_row(s, bufs[s])
            pltpu.make_async_copy(bufs[s], a_hbm.at[row0 + s], sems[s]).start()

        @pl.loop(2, ROWS_PER_W, step=2)
        def _(r0):
            for s in range(2):
                r = r0 + s
                pltpu.make_async_copy(bufs[s], a_hbm.at[row0 + r - 2], sems[s]).wait()
                clear_row(r - 2, bufs[s])
                scatter_row(r, bufs[s])
                pltpu.make_async_copy(bufs[s], a_hbm.at[row0 + r], sems[s]).start()

        for s in range(2):
            pltpu.make_async_copy(
                bufs[s], a_hbm.at[row0 + ROWS_PER_W - 2 + s], sems[s]
            ).wait()

    return build(col_idx, means_flat)


def _tc_matmul_part(x, a_part, bias2d):
    OB = 512

    def body(x_ref, a_ref, b_ref, o_ref):
        acc = lax.dot_general(
            x_ref[...],
            a_ref[...],
            dimension_numbers=(((1,), (1,)), ((), ())),
            preferred_element_type=jnp.float32,
        )
        o_ref[...] = acc + b_ref[...]

    return pl.pallas_call(
        body,
        grid=(ROWS_P // OB,),
        in_specs=[
            pl.BlockSpec((B, IN_F), lambda i: (0, 0)),
            pl.BlockSpec((OB, IN_F), lambda i: (i, 0)),
            pl.BlockSpec((1, OB), lambda i: (0, i)),
        ],
        out_specs=pl.BlockSpec((B, OB), lambda i: (0, i)),
        out_shape=jax.ShapeDtypeStruct((B, ROWS_P), jnp.float32),
    )(x, a_part, bias2d)


def kernel(x, means, bias, col_idx, dest):
    del dest
    means_flat = means.reshape(-1)
    bias2d = bias.reshape(1, OUT_F)
    ys = []
    for part in range(PARTS):
        a_part = _build_a_part(col_idx, means_flat, part)
        ys.append(
            _tc_matmul_part(
                x, a_part, lax.slice(bias2d, (0, part * ROWS_P), (1, (part + 1) * ROWS_P))
            )
        )
    return jnp.concatenate(ys, axis=1)

# --- scband reference (transcript-rebuilt; emitter-appended) ---
"""Pipeline reference for scband-siclinear-84550726189076 (READ-ONLY COPY).

The authoritative reference and input builder live on the scoring server;
editing this copy changes nothing except your own understanding.
"""

import jax, jax.numpy as jnp
import numpy as np

B = 128
IN_F = 4096
OUT_F = 4096
GMAX = 4
PER_GROUP = 32
NNZ = OUT_F * GMAX * PER_GROUP  # 524288


def setup_inputs(seed: int = 0) -> dict:
    key = jax.random.key(seed)
    k1, k2, k3, k4 = jax.random.split(key, 4)
    x = jax.random.normal(k1, (B, IN_F), dtype=jnp.float32)
    # SIC structure: each output row has GMAX clusters, each cluster holds
    # PER_GROUP input-column indices that share one mean weight value.
    col_idx = jax.random.randint(k2, (NNZ,), 0, IN_F)
    row_ids = jnp.repeat(jnp.arange(OUT_F, dtype=jnp.int64), GMAX * PER_GROUP)
    group_ids = jnp.tile(jnp.repeat(jnp.arange(GMAX, dtype=jnp.int64), PER_GROUP), OUT_F)
    dest = row_ids * GMAX + group_ids  # flattened (row, group) destination, [NNZ]
    means = jax.random.normal(k3, (OUT_F, GMAX), dtype=jnp.float32) * 0.05
    bias = jax.random.normal(k4, (OUT_F,), dtype=jnp.float32) * 0.01
    return {"x": x, "means": means, "bias": bias, "col_idx": col_idx, "dest": dest}


def reference(x, means, bias, col_idx, dest):
    # Faithful translation of SICLinear.forward:
    #   src = x.index_select(1, col_idx)
    #   out2d.scatter_add_(1, dest.expand(B, -1), src)
    #   y = (out2d.view(B, OUT_F, GMAX) * means).sum(-1) + bias
    Bx = x.shape[0]
    out_f, gmax = means.shape
    cols = out_f * gmax
    src = jnp.take(x, col_idx, axis=1)  # [B, NNZ] gather
    out2d = jnp.zeros((Bx, cols), dtype=x.dtype)
    out2d = out2d.at[:, dest].add(src)  # scatter-add along axis 1
    sums = out2d.reshape(Bx, out_f, gmax)
    y = (sums * means.astype(x.dtype)).sum(axis=2)
    y = y + bias.astype(x.dtype)
    return y

if __name__ == "__main__":
    import jax
    _d = setup_inputs()
    print(jax.jit(kernel)(*tuple(_d.values())))

</pallas_src>

<mosaic_0001>
#map = affine_map<(d0, d1) -> (0)>
#map1 = affine_map<(d0, d1) -> (0, 0)>
module attributes {stable_mosaic.version = 14 : i64} {
  func.func @build(%arg0: i32, %arg1: i32, %arg2: memref<524288xi32, #tpu.memory_space<hbm>>, %arg3: memref<16384xf32, #tpu.memory_space<hbm>>, %arg4: memref<2048x4096xf32, #tpu.memory_space<hbm>>, %arg5: memref<8192xi32, #tpu.memory_space<vmem>>, %arg6: memref<256xf32, #tpu.memory_space<vmem>>, %arg7: memref<8192xf32, #tpu.memory_space<vmem>>, %arg8: memref<4096xf32, #tpu.memory_space<vmem>>, %arg9: memref<4096xf32, #tpu.memory_space<vmem>>, %arg10: memref<!tpu.dma_semaphore, #tpu.memory_space<semaphore_mem>>, %arg11: memref<!tpu.dma_semaphore, #tpu.memory_space<semaphore_mem>>) attributes {dimension_semantics = [#tpu.dimension_semantics<core_parallel>, #tpu.dimension_semantics<subcore_parallel>], iteration_bounds = array<i64: 2, 16>, scalar_prefetch = 0 : i64, scratch_operands = 7 : i64, tpu.core_type = #tpu.core_type<sc_vector_subcore>, window_params = [{transform_indices = #map}, {transform_indices = #map}, {transform_indices = #map1}]} {
    %mul3A = arith.constant 2 : i32
    %mul3A_0 = arith.muli %arg1, %mul3A : i32
    %add3A = arith.addi %mul3A_0, %arg0 : i32
    %mul3A_1 = arith.constant 64 : i32
    %mul3A_2 = arith.muli %add3A, %mul3A_1 : i32
    %add3A_3 = arith.constant 0 : i32
    %add3A_4 = arith.addi %add3A_3, %mul3A_2 : i32
    %mul3A_5 = arith.constant 64 : i32
    %mul3A_6 = arith.muli %add3A, %mul3A_5 : i32
    %mul3A_7 = arith.constant 128 : i32
    %mul3A_8 = arith.muli %add3A_4, %mul3A_7 : i32
    "tpu.region"() ({
      %run_scoped3A = tpu.sem_alloc : memref<!tpu.dma_semaphore, #tpu.memory_space<semaphore_mem>>
      %dma_start3A_126 = tpu.memref_slice %arg2[%mul3A_8] : memref<524288xi32, #tpu.memory_space<hbm>> -> memref<8192xi32, #tpu.memory_space<hbm>>
      %dma_start3A_127 = tpu.memref_slice %arg2[%mul3A_8] : memref<524288xi32, #tpu.memory_space<hbm>> -> memref<8192xi32, #tpu.memory_space<hbm>>
      tpu.enqueue_dma source(%dma_start3A_127 : memref<8192xi32, #tpu.memory_space<hbm>>) target(%arg5 : memref<8192xi32, #tpu.memory_space<vmem>>) target_semaphore(%run_scoped3A : memref<!tpu.dma_semaphore, #tpu.memory_space<semaphore_mem>>)
      %dma_wait3A_128 = tpu.memref_slice %arg2[%mul3A_8] : memref<524288xi32, #tpu.memory_space<hbm>> -> memref<8192xi32, #tpu.memory_space<hbm>>
      %dma_wait3A_129 = tpu.memref_slice %arg2[%mul3A_8] : memref<524288xi32, #tpu.memory_space<hbm>> -> memref<8192xi32, #tpu.memory_space<hbm>>
      tpu.wait_dma2 semaphore(%run_scoped3A : memref<!tpu.dma_semaphore, #tpu.memory_space<semaphore_mem>>) src(%dma_wait3A_129 : memref<8192xi32, #tpu.memory_space<hbm>>) dst(%arg5 : memref<8192xi32, #tpu.memory_space<vmem>>)
      tpu.yield
    }) : () -> ()
    %mul3A_9 = arith.constant 4 : i32
    %mul3A_10 = arith.muli %add3A_4, %mul3A_9 : i32
    "tpu.region"() ({
      %run_scoped3A = tpu.sem_alloc : memref<!tpu.dma_semaphore, #tpu.memory_space<semaphore_mem>>
      %dma_start3A_126 = tpu.memref_slice %arg3[%mul3A_10] : memref<16384xf32, #tpu.memory_space<hbm>> -> memref<256xf32, #tpu.memory_space<hbm>>
      %dma_start3A_127 = tpu.memref_slice %arg3[%mul3A_10] : memref<16384xf32, #tpu.memory_space<hbm>> -> memref<256xf32, #tpu.memory_space<hbm>>
      tpu.enqueue_dma source(%dma_start3A_127 : memref<256xf32, #tpu.memory_space<hbm>>) target(%arg6 : memref<256xf32, #tpu.memory_space<vmem>>) target_semaphore(%run_scoped3A : memref<!tpu.dma_semaphore, #tpu.memory_space<semaphore_mem>>)
      %dma_wait3A_128 = tpu.memref_slice %arg3[%mul3A_10] : memref<16384xf32, #tpu.memory_space<hbm>> -> memref<256xf32, #tpu.memory_space<hbm>>
      %dma_wait3A_129 = tpu.memref_slice %arg3[%mul3A_10] : memref<16384xf32, #tpu.memory_space<hbm>> -> memref<256xf32, #tpu.memory_space<hbm>>
      tpu.wait_dma2 semaphore(%run_scoped3A : memref<!tpu.dma_semaphore, #tpu.memory_space<semaphore_mem>>) src(%dma_wait3A_129 : memref<256xf32, #tpu.memory_space<hbm>>) dst(%arg6 : memref<256xf32, #tpu.memory_space<vmem>>)
      tpu.yield
    }) : () -> ()
    %scan3A = arith.constant 0 : i32
    %scan3A_11 = arith.constant 256 : i32
    %scan3A_12 = arith.addi %scan3A, %scan3A_11 : i32
    %scan3A_13 = arith.constant 1 : i32
    scf.for %scan3A_126 = %scan3A to %scan3A_12 step %scan3A_13  : i32 {
      %mul3A_127 = arith.constant 1 : i32
      %mul3A_128 = arith.muli %scan3A_126, %mul3A_127 : i32
      %add3A_129 = arith.constant 0 : i32
      %add3A_130 = arith.addi %add3A_129, %mul3A_128 : i32
      %broadcast_in_dim3A_131 = vector.broadcast %add3A_130 : i32 to vector<16xi32>
      %gather3A = tpu.vector_load_idx %arg6[%broadcast_in_dim3A_131] : memref<256xf32, #tpu.memory_space<vmem>>[vector<16xi32>], vector<16xf32>,
      %mul3A_132 = arith.constant 32 : i32
      %mul3A_133 = arith.muli %add3A_130, %mul3A_132 : i32
      %swap3A = arith.index_cast %mul3A_133 : i32 to index
      %swap3A_134 = tpu.vector_load %arg7[%swap3A] {strides = array<i32>} : memref<8192xf32, #tpu.memory_space<vmem>>, vector<16xf32>,
      tpu.vector_store %arg7[%swap3A], %gather3A {strides = array<i32>} : memref<8192xf32, #tpu.memory_space<vmem>>, vector<16xf32>,
      %mul3A_135 = arith.constant 32 : i32
      %mul3A_136 = arith.muli %add3A_130, %mul3A_135 : i32
      %add3A_137 = arith.constant 16 : i32
      %add3A_138 = arith.addi %mul3A_136, %add3A_137 : i32
      %swap3A_139 = arith.index_cast %add3A_138 : i32 to index
      %swap3A_140 = tpu.vector_load %arg7[%swap3A_139] {strides = array<i32>} : memref<8192xf32, #tpu.memory_space<vmem>>, vector<16xf32>,
      tpu.vector_store %arg7[%swap3A_139], %gather3A {strides = array<i32>} : memref<8192xf32, #tpu.memory_space<vmem>>, vector<16xf32>,
    }
    %scan3A_14 = arith.constant 256 : i32
    %broadcast_in_dim3A = arith.constant 0.000000e+00 : f32
    %broadcast_in_dim3A_15 = vector.broadcast %broadcast_in_dim3A : f32 to vector<16xf32>
    %scan3A_16 = arith.constant 0 : i32
    %scan3A_17 = arith.constant 256 : i32
    %scan3A_18 = arith.addi %scan3A_16, %scan3A_17 : i32
    %scan3A_19 = arith.constant 1 : i32
    scf.for %scan3A_126 = %scan3A_16 to %scan3A_18 step %scan3A_19  : i32 {
      %mul3A_127 = arith.constant 16 : i32
      %mul3A_128 = arith.muli %scan3A_126, %mul3A_127 : i32
      %add3A_129 = arith.constant 0 : i32
      %add3A_130 = arith.addi %add3A_129, %mul3A_128 : i32
      %swap3A = arith.index_cast %add3A_130 : i32 to index
      %swap3A_131 = tpu.vector_load %arg8[%swap3A] {strides = array<i32>} : memref<4096xf32, #tpu.memory_space<vmem>>, vector<16xf32>,
      tpu.vector_store %arg8[%swap3A], %broadcast_in_dim3A_15 {strides = array<i32>} : memref<4096xf32, #tpu.memory_space<vmem>>, vector<16xf32>,
      %swap3A_132 = arith.index_cast %add3A_130 : i32 to index
      %swap3A_133 = tpu.vector_load %arg9[%swap3A_132] {strides = array<i32>} : memref<4096xf32, #tpu.memory_space<vmem>>, vector<16xf32>,
      tpu.vector_store %arg9[%swap3A_132], %broadcast_in_dim3A_15 {strides = array<i32>} : memref<4096xf32, #tpu.memory_space<vmem>>, vector<16xf32>,
    }
    %scan3A_20 = arith.constant 256 : i32
    %get3A = arith.constant 0 : index
    %get3A_21 = tpu.vector_load %arg5[%get3A] {strides = array<i32>} : memref<8192xi32, #tpu.memory_space<vmem>>, vector<16xi32>,
    %get3A_22 = arith.constant 0 : index
    %get3A_23 = tpu.vector_load %arg7[%get3A_22] {strides = array<i32>} : memref<8192xf32, #tpu.memory_space<vmem>>, vector<16xf32>,
    tpu.vector_store_idx %arg8[%get3A_21], %get3A_23 {add = true} : memref<4096xf32, #tpu.memory_space<vmem>>[vector<16xi32>], vector<16xf32>,
    %get3A_24 = arith.constant 16 : index
    %get3A_25 = tpu.vector_load %arg5[%get3A_24] {strides = array<i32>} : memref<8192xi32, #tpu.memory_space<vmem>>, vector<16xi32>,
    %get3A_26 = arith.constant 16 : index
    %get3A_27 = tpu.vector_load %arg7[%get3A_26] {strides = array<i32>} : memref<8192xf32, #tpu.memory_space<vmem>>, vector<16xf32>,
    tpu.vector_store_idx %arg8[%get3A_25], %get3A_27 {add = true} : memref<4096xf32, #tpu.memory_space<vmem>>[vector<16xi32>], vector<16xf32>,
    %get3A_28 = arith.constant 32 : index
    %get3A_29 = tpu.vector_load %arg5[%get3A_28] {strides = array<i32>} : memref<8192xi32, #tpu.memory_space<vmem>>, vector<16xi32>,
    %get3A_30 = arith.constant 32 : index
    %get3A_31 = tpu.vector_load %arg7[%get3A_30] {strides = array<i32>} : memref<8192xf32, #tpu.memory_space<vmem>>, vector<16xf32>,
    tpu.vector_store_idx %arg8[%get3A_29], %get3A_31 {add = true} : memref<4096xf32, #tpu.memory_space<vmem>>[vector<16xi32>], vector<16xf32>,
    %get3A_32 = arith.constant 48 : index
    %get3A_33 = tpu.vector_load %arg5[%get3A_32] {strides = array<i32>} : memref<8192xi32, #tpu.memory_space<vmem>>, vector<16xi32>,
    %get3A_34 = arith.constant 48 : index
    %get3A_35 = tpu.vector_load %arg7[%get3A_34] {strides = array<i32>} : memref<8192xf32, #tpu.memory_space<vmem>>, vector<16xf32>,
    tpu.vector_store_idx %arg8[%get3A_33], %get3A_35 {add = true} : memref<4096xf32, #tpu.memory_space<vmem>>[vector<16xi32>], vector<16xf32>,
    %get3A_36 = arith.constant 64 : index
    %get3A_37 = tpu.vector_load %arg5[%get3A_36] {strides = array<i32>} : memref<8192xi32, #tpu.memory_space<vmem>>, vector<16xi32>,
    %get3A_38 = arith.constant 64 : index
    %get3A_39 = tpu.vector_load %arg7[%get3A_38] {strides = array<i32>} : memref<8192xf32, #tpu.memory_space<vmem>>, vector<16xf32>,
    tpu.vector_store_idx %arg8[%get3A_37], %get3A_39 {add = true} : memref<4096xf32, #tpu.memory_space<vmem>>[vector<16xi32>], vector<16xf32>,
    %get3A_40 = arith.constant 80 : index
    %get3A_41 = tpu.vector_load %arg5[%get3A_40] {strides = array<i32>} : memref<8192xi32, #tpu.memory_space<vmem>>, vector<16xi32>,
    %get3A_42 = arith.constant 80 : index
    %get3A_43 = tpu.vector_load %arg7[%get3A_42] {strides = array<i32>} : memref<8192xf32, #tpu.memory_space<vmem>>, vector<16xf32>,
    tpu.vector_store_idx %arg8[%get3A_41], %get3A_43 {add = true} : memref<4096xf32, #tpu.memory_space<vmem>>[vector<16xi32>], vector<16xf32>,
    %get3A_44 = arith.constant 96 : index
    %get3A_45 = tpu.vector_load %arg5[%get3A_44] {strides = array<i32>} : memref<8192xi32, #tpu.memory_space<vmem>>, vector<16xi32>,
    %get3A_46 = arith.constant 96 : index
    %get3A_47 = tpu.vector_load %arg7[%get3A_46] {strides = array<i32>} : memref<8192xf32, #tpu.memory_space<vmem>>, vector<16xf32>,
    tpu.vector_store_idx %arg8[%get3A_45], %get3A_47 {add = true} : memref<4096xf32, #tpu.memory_space<vmem>>[vector<16xi32>], vector<16xf32>,
    %get3A_48 = arith.constant 112 : index
    %get3A_49 = tpu.vector_load %arg5[%get3A_48] {strides = array<i32>} : memref<8192xi32, #tpu.memory_space<vmem>>, vector<16xi32>,
    %get3A_50 = arith.constant 112 : index
    %get3A_51 = tpu.vector_load %arg7[%get3A_50] {strides = array<i32>} : memref<8192xf32, #tpu.memory_space<vmem>>, vector<16xf32>,
    tpu.vector_store_idx %arg8[%get3A_49], %get3A_51 {add = true} : memref<4096xf32, #tpu.memory_space<vmem>>[vector<16xi32>], vector<16xf32>,
    %add3A_52 = arith.constant 0 : i32
    %add3A_53 = arith.addi %mul3A_6, %add3A_52 : i32
    %dma_start3A = arith.constant 0 : i32
    %dma_start3A_54 = tpu.memref_slice %arg4[%add3A_53, %dma_start3A] : memref<2048x4096xf32, #tpu.memory_space<hbm>> -> memref<1x4096xf32, #tpu.memory_space<hbm>>
    %dma_start3A_55 = tpu.memref_squeeze %dma_start3A_54 : memref<1x4096xf32, #tpu.memory_space<hbm>> -> memref<4096xf32, #tpu.memory_space<hbm>>
    %dma_start3A_56 = arith.constant 0 : i32
    %dma_start3A_57 = tpu.memref_slice %arg4[%add3A_53, %dma_start3A_56] : memref<2048x4096xf32, #tpu.memory_space<hbm>> -> memref<1x4096xf32, #tpu.memory_space<hbm>>
    %dma_start3A_58 = tpu.memref_squeeze %dma_start3A_57 : memref<1x4096xf32, #tpu.memory_space<hbm>> -> memref<4096xf32, #tpu.memory_space<hbm>>
    tpu.enqueue_dma source(%arg8 : memref<4096xf32, #tpu.memory_space<vmem>>) target(%dma_start3A_58 : memref<4096xf32, #tpu.memory_space<hbm>>) target_semaphore(%arg10 : memref<!tpu.dma_semaphore, #tpu.memory_space<semaphore_mem>>)
    %get3A_59 = arith.constant 128 : index
    %get3A_60 = tpu.vector_load %arg5[%get3A_59] {strides = array<i32>} : memref<8192xi32, #tpu.memory_space<vmem>>, vector<16xi32>,
    %get3A_61 = arith.constant 128 : index
    %get3A_62 = tpu.vector_load %arg7[%get3A_61] {strides = array<i32>} : memref<8192xf32, #tpu.memory_space<vmem>>, vector<16xf32>,
    tpu.vector_store_idx %arg9[%get3A_60], %get3A_62 {add = true} : memref<4096xf32, #tpu.memory_space<vmem>>[vector<16xi32>], vector<16xf32>,
    %get3A_63 = arith.constant 144 : index
    %get3A_64 = tpu.vector_load %arg5[%get3A_63] {strides = array<i32>} : memref<8192xi32, #tpu.memory_space<vmem>>, vector<16xi32>,
    %get3A_65 = arith.constant 144 : index
    %get3A_66 = tpu.vector_load %arg7[%get3A_65] {strides = array<i32>} : memref<8192xf32, #tpu.memory_space<vmem>>, vector<16xf32>,
    tpu.vector_store_idx %arg9[%get3A_64], %get3A_66 {add = true} : memref<4096xf32, #tpu.memory_space<vmem>>[vector<16xi32>], vector<16xf32>,
    %get3A_67 = arith.constant 160 : index
    %get3A_68 = tpu.vector_load %arg5[%get3A_67] {strides = array<i32>} : memref<8192xi32, #tpu.memory_space<vmem>>, vector<16xi32>,
    %get3A_69 = arith.constant 160 : index
    %get3A_70 = tpu.vector_load %arg7[%get3A_69] {strides = array<i32>} : memref<8192xf32, #tpu.memory_space<vmem>>, vector<16xf32>,
    tpu.vector_store_idx %arg9[%get3A_68], %get3A_70 {add = true} : memref<4096xf32, #tpu.memory_space<vmem>>[vector<16xi32>], vector<16xf32>,
    %get3A_71 = arith.constant 176 : index
    %get3A_72 = tpu.vector_load %arg5[%get3A_71] {strides = array<i32>} : memref<8192xi32, #tpu.memory_space<vmem>>, vector<16xi32>,
    %get3A_73 = arith.constant 176 : index
    %get3A_74 = tpu.vector_load %arg7[%get3A_73] {strides = array<i32>} : memref<8192xf32, #tpu.memory_space<vmem>>, vector<16xf32>,
    tpu.vector_store_idx %arg9[%get3A_72], %get3A_74 {add = true} : memref<4096xf32, #tpu.memory_space<vmem>>[vector<16xi32>], vector<16xf32>,
    %get3A_75 = arith.constant 192 : index
    %get3A_76 = tpu.vector_load %arg5[%get3A_75] {strides = array<i32>} : memref<8192xi32, #tpu.memory_space<vmem>>, vector<16xi32>,
    %get3A_77 = arith.constant 192 : index
    %get3A_78 = tpu.vector_load %arg7[%get3A_77] {strides = array<i32>} : memref<8192xf32, #tpu.memory_space<vmem>>, vector<16xf32>,
    tpu.vector_store_idx %arg9[%get3A_76], %get3A_78 {add = true} : memref<4096xf32, #tpu.memory_space<vmem>>[vector<16xi32>], vector<16xf32>,
    %get3A_79 = arith.constant 208 : index
    %get3A_80 = tpu.vector_load %arg5[%get3A_79] {strides = array<i32>} : memref<8192xi32, #tpu.memory_space<vmem>>, vector<16xi32>,
    %get3A_81 = arith.constant 208 : index
    %get3A_82 = tpu.vector_load %arg7[%get3A_81] {strides = array<i32>} : memref<8192xf32, #tpu.memory_space<vmem>>, vector<16xf32>,
    tpu.vector_store_idx %arg9[%get3A_80], %get3A_82 {add = true} : memref<4096xf32, #tpu.memory_space<vmem>>[vector<16xi32>], vector<16xf32>,
    %get3A_83 = arith.constant 224 : index
    %get3A_84 = tpu.vector_load %arg5[%get3A_83] {strides = array<i32>} : memref<8192xi32, #tpu.memory_space<vmem>>, vector<16xi32>,
    %get3A_85 = arith.constant 224 : index
    %get3A_86 = tpu.vector_load %arg7[%get3A_85] {strides = array<i32>} : memref<8192xf32, #tpu.memory_space<vmem>>, vector<16xf32>,
    tpu.vector_store_idx %arg9[%get3A_84], %get3A_86 {add = true} : memref<4096xf32, #tpu.memory_space<vmem>>[vector<16xi32>], vector<16xf32>,
    %get3A_87 = arith.constant 240 : index
    %get3A_88 = tpu.vector_load %arg5[%get3A_87] {strides = array<i32>} : memref<8192xi32, #tpu.memory_space<vmem>>, vector<16xi32>,
    %get3A_89 = arith.constant 240 : index
    %get3A_90 = tpu.vector_load %arg7[%get3A_89] {strides = array<i32>} : memref<8192xf32, #tpu.memory_space<vmem>>, vector<16xf32>,
    tpu.vector_store_idx %arg9[%get3A_88], %get3A_90 {add = true} : memref<4096xf32, #tpu.memory_space<vmem>>[vector<16xi32>], vector<16xf32>,
    %add3A_91 = arith.constant 1 : i32
    %add3A_92 = arith.addi %mul3A_6, %add3A_91 : i32
    %dma_start3A_93 = arith.constant 0 : i32
    %dma_start3A_94 = tpu.memref_slice %arg4[%add3A_92, %dma_start3A_93] : memref<2048x4096xf32, #tpu.memory_space<hbm>> -> memref<1x4096xf32, #tpu.memory_space<hbm>>
    %dma_start3A_95 = tpu.memref_squeeze %dma_start3A_94 : memref<1x4096xf32, #tpu.memory_space<hbm>> -> memref<4096xf32, #tpu.memory_space<hbm>>
    %dma_start3A_96 = arith.constant 0 : i32
    %dma_start3A_97 = tpu.memref_slice %arg4[%add3A_92, %dma_start3A_96] : memref<2048x4096xf32, #tpu.memory_space<hbm>> -> memref<1x4096xf32, #tpu.memory_space<hbm>>
    %dma_start3A_98 = tpu.memref_squeeze %dma_start3A_97 : memref<1x4096xf32, #tpu.memory_space<hbm>> -> memref<4096xf32, #tpu.memory_space<hbm>>
    tpu.enqueue_dma source(%arg9 : memref<4096xf32, #tpu.memory_space<vmem>>) target(%dma_start3A_98 : memref<4096xf32, #tpu.memory_space<hbm>>) target_semaphore(%arg11 : memref<!tpu.dma_semaphore, #tpu.memory_space<semaphore_mem>>)
    %scan3A_99 = arith.constant 0 : i32
    %scan3A_100 = arith.constant 31 : i32
    %scan3A_101 = arith.addi %scan3A_99, %scan3A_100 : i32
    %scan3A_102 = arith.constant 1 : i32
    scf.for %scan3A_126 = %scan3A_99 to %scan3A_101 step %scan3A_102  : i32 {
      %mul3A_127 = arith.constant 2 : i32
      %mul3A_128 = arith.muli %scan3A_126, %mul3A_127 : i32
      %add3A_129 = arith.constant 2 : i32
      %add3A_130 = arith.addi %add3A_129, %mul3A_128 : i32
      %add3A_131 = arith.constant 0 : i32
      %add3A_132 = arith.addi %add3A_130, %add3A_131 : i32
      %add3A_133 = arith.addi %mul3A_6, %add3A_132 : i32
      %sub3A_134 = arith.constant 2 : i32
      %sub3A_135 = arith.subi %add3A_133, %sub3A_134 : i32
      %dma_wait3A_136 = arith.constant 0 : i32
      %dma_wait3A_137 = tpu.memref_slice %arg4[%sub3A_135, %dma_wait3A_136] : memref<2048x4096xf32, #tpu.memory_space<hbm>> -> memref<1x4096xf32, #tpu.memory_space<hbm>>
      %dma_wait3A_138 = tpu.memref_squeeze %dma_wait3A_137 : memref<1x4096xf32, #tpu.memory_space<hbm>> -> memref<4096xf32, #tpu.memory_space<hbm>>
      %dma_wait3A_139 = arith.constant 0 : i32
      %dma_wait3A_140 = tpu.memref_slice %arg4[%sub3A_135, %dma_wait3A_139] : memref<2048x4096xf32, #tpu.memory_space<hbm>> -> memref<1x4096xf32, #tpu.memory_space<hbm>>
      %dma_wait3A_141 = tpu.memref_squeeze %dma_wait3A_140 : memref<1x4096xf32, #tpu.memory_space<hbm>> -> memref<4096xf32, #tpu.memory_space<hbm>>
      tpu.wait_dma2 semaphore(%arg10 : memref<!tpu.dma_semaphore, #tpu.memory_space<semaphore_mem>>) src(%arg8 : memref<4096xf32, #tpu.memory_space<vmem>>) dst(%dma_wait3A_141 : memref<4096xf32, #tpu.memory_space<hbm>>)
      %sub3A_142 = arith.constant 2 : i32
      %sub3A_143 = arith.subi %add3A_132, %sub3A_142 : i32
      %mul3A_144 = arith.constant 128 : i32
      %mul3A_145 = arith.muli %sub3A_143, %mul3A_144 : i32
      %add3A_146 = arith.constant 0 : i32
      %add3A_147 = arith.addi %mul3A_145, %add3A_146 : i32
      %get3A_148 = arith.index_cast %add3A_147 : i32 to index
      %get3A_149 = tpu.vector_load %arg5[%get3A_148] {strides = array<i32>} : memref<8192xi32, #tpu.memory_space<vmem>>, vector<16xi32>,
      tpu.vector_store_idx %arg8[%get3A_149], %broadcast_in_dim3A_15 : memref<4096xf32, #tpu.memory_space<vmem>>[vector<16xi32>], vector<16xf32>,
      %mul3A_150 = arith.constant 128 : i32
      %mul3A_151 = arith.muli %sub3A_143, %mul3A_150 : i32
      %add3A_152 = arith.constant 16 : i32
      %add3A_153 = arith.addi %mul3A_151, %add3A_152 : i32
      %get3A_154 = arith.index_cast %add3A_153 : i32 to index
      %get3A_155 = tpu.vector_load %arg5[%get3A_154] {strides = array<i32>} : memref<8192xi32, #tpu.memory_space<vmem>>, vector<16xi32>,
      tpu.vector_store_idx %arg8[%get3A_155], %broadcast_in_dim3A_15 : memref<4096xf32, #tpu.memory_space<vmem>>[vector<16xi32>], vector<16xf32>,
      %mul3A_156 = arith.constant 128 : i32
      %mul3A_157 = arith.muli %sub3A_143, %mul3A_156 : i32
      %add3A_158 = arith.constant 32 : i32
      %add3A_159 = arith.addi %mul3A_157, %add3A_158 : i32
      %get3A_160 = arith.index_cast %add3A_159 : i32 to index
      %get3A_161 = tpu.vector_load %arg5[%get3A_160] {strides = array<i32>} : memref<8192xi32, #tpu.memory_space<vmem>>, vector<16xi32>,
      tpu.vector_store_idx %arg8[%get3A_161], %broadcast_in_dim3A_15 : memref<4096xf32, #tpu.memory_space<vmem>>[vector<16xi32>], vector<16xf32>,
      %mul3A_162 = arith.constant 128 : i32
      %mul3A_163 = arith.muli %sub3A_143, %mul3A_162 : i32
      %add3A_164 = arith.constant 48 : i32
      %add3A_165 = arith.addi %mul3A_163, %add3A_164 : i32
      %get3A_166 = arith.index_cast %add3A_165 : i32 to index
      %get3A_167 = tpu.vector_load %arg5[%get3A_166] {strides = array<i32>} : memref<8192xi32, #tpu.memory_space<vmem>>, vector<16xi32>,
      tpu.vector_store_idx %arg8[%get3A_167], %broadcast_in_dim3A_15 : memref<4096xf32, #tpu.memory_space<vmem>>[vector<16xi32>], vector<16xf32>,
      %mul3A_168 = arith.constant 128 : i32
      %mul3A_169 = arith.muli %sub3A_143, %mul3A_168 : i32
      %add3A_170 = arith.constant 64 : i32
      %add3A_171 = arith.addi %mul3A_169, %add3A_170 : i32
      %get3A_172 = arith.index_cast %add3A_171 : i32 to index
      %get3A_173 = tpu.vector_load %arg5[%get3A_172] {strides = array<i32>} : memref<8192xi32, #tpu.memory_space<vmem>>, vector<16xi32>,
      tpu.vector_store_idx %arg8[%get3A_173], %broadcast_in_dim3A_15 : memref<4096xf32, #tpu.memory_space<vmem>>[vector<16xi32>], vector<16xf32>,
      %mul3A_174 = arith.constant 128 : i32
      %mul3A_175 = arith.muli %sub3A_143, %mul3A_174 : i32
      %add3A_176 = arith.constant 80 : i32
      %add3A_177 = arith.addi %mul3A_175, %add3A_176 : i32
      %get3A_178 = arith.index_cast %add3A_177 : i32 to index
      %get3A_179 = tpu.vector_load %arg5[%get3A_178] {strides = array<i32>} : memref<8192xi32, #tpu.memory_space<vmem>>, vector<16xi32>,
      tpu.vector_store_idx %arg8[%get3A_179], %broadcast_in_dim3A_15 : memref<4096xf32, #tpu.memory_space<vmem>>[vector<16xi32>], vector<16xf32>,
      %mul3A_180 = arith.constant 128 : i32
      %mul3A_181 = arith.muli %sub3A_143, %mul3A_180 : i32
      %add3A_182 = arith.constant 96 : i32
      %add3A_183 = arith.addi %mul3A_181, %add3A_182 : i32
      %get3A_184 = arith.index_cast %add3A_183 : i32 to index
      %get3A_185 = tpu.vector_load %arg5[%get3A_184] {strides = array<i32>} : memref<8192xi32, #tpu.memory_space<vmem>>, vector<16xi32>,
      tpu.vector_store_idx %arg8[%get3A_185], %broadcast_in_dim3A_15 : memref<4096xf32, #tpu.memory_space<vmem>>[vector<16xi32>], vector<16xf32>,
      %mul3A_186 = arith.constant 128 : i32
      %mul3A_187 = arith.muli %sub3A_143, %mul3A_186 : i32
      %add3A_188 = arith.constant 112 : i32
      %add3A_189 = arith.addi %mul3A_187, %add3A_188 : i32
      %get3A_190 = arith.index_cast %add3A_189 : i32 to index
      %get3A_191 = tpu.vector_load %arg5[%get3A_190] {strides = array<i32>} : memref<8192xi32, #tpu.memory_space<vmem>>, vector<16xi32>,
      tpu.vector_store_idx %arg8[%get3A_191], %broadcast_in_dim3A_15 : memref<4096xf32, #tpu.memory_space<vmem>>[vector<16xi32>], vector<16xf32>,
      %mul3A_192 = arith.constant 128 : i32
      %mul3A_193 = arith.muli %add3A_132, %mul3A_192 : i32
      %add3A_194 = arith.constant 0 : i32
      %add3A_195 = arith.addi %mul3A_193, %add3A_194 : i32
      %get3A_196 = arith.index_cast %add3A_195 : i32 to index
      %get3A_197 = tpu.vector_load %arg5[%get3A_196] {strides = array<i32>} : memref<8192xi32, #tpu.memory_space<vmem>>, vector<16xi32>,
      %get3A_198 = arith.index_cast %add3A_195 : i32 to index
      %get3A_199 = tpu.vector_load %arg7[%get3A_198] {strides = array<i32>} : memref<8192xf32, #tpu.memory_space<vmem>>, vector<16xf32>,
      tpu.vector_store_idx %arg8[%get3A_197], %get3A_199 {add = true} : memref<4096xf32, #tpu.memory_space<vmem>>[vector<16xi32>], vector<16xf32>,
      %mul3A_200 = arith.constant 128 : i32
      %mul3A_201 = arith.muli %add3A_132, %mul3A_200 : i32
      %add3A_202 = arith.constant 16 : i32
      %add3A_203 = arith.addi %mul3A_201, %add3A_202 : i32
      %get3A_204 = arith.index_cast %add3A_203 : i32 to index
      %get3A_205 = tpu.vector_load %arg5[%get3A_204] {strides = array<i32>} : memref<8192xi32, #tpu.memory_space<vmem>>, vector<16xi32>,
      %get3A_206 = arith.index_cast %add3A_203 : i32 to index
      %get3A_207 = tpu.vector_load %arg7[%get3A_206] {strides = array<i32>} : memref<8192xf32, #tpu.memory_space<vmem>>, vector<16xf32>,
      tpu.vector_store_idx %arg8[%get3A_205], %get3A_207 {add = true} : memref<4096xf32, #tpu.memory_space<vmem>>[vector<16xi32>], vector<16xf32>,
      %mul3A_208 = arith.constant 128 : i32
      %mul3A_209 = arith.muli %add3A_132, %mul3A_208 : i32
      %add3A_210 = arith.constant 32 : i32
      %add3A_211 = arith.addi %mul3A_209, %add3A_210 : i32
      %get3A_212 = arith.index_cast %add3A_211 : i32 to index
      %get3A_213 = tpu.vector_load %arg5[%get3A_212] {strides = array<i32>} : memref<8192xi32, #tpu.memory_space<vmem>>, vector<16xi32>,
      %get3A_214 = arith.index_cast %add3A_211 : i32 to index
      %get3A_215 = tpu.vector_load %arg7[%get3A_214] {strides = array<i32>} : memref<8192xf32, #tpu.memory_space<vmem>>, vector<16xf32>,
      tpu.vector_store_idx %arg8[%get3A_213], %get3A_215 {add = true} : memref<4096xf32, #tpu.memory_space<vmem>>[vector<16xi32>], vector<16xf32>,
      %mul3A_216 = arith.constant 128 : i32
      %mul3A_217 = arith.muli %add3A_132, %mul3A_216 : i32
      %add3A_218 = arith.constant 48 : i32
      %add3A_219 = arith.addi %mul3A_217, %add3A_218 : i32
      %get3A_220 = arith.index_cast %add3A_219 : i32 to index
      %get3A_221 = tpu.vector_load %arg5[%get3A_220] {strides = array<i32>} : memref<8192xi32, #tpu.memory_space<vmem>>, vector<16xi32>,
      %get3A_222 = arith.index_cast %add3A_219 : i32 to index
      %get3A_223 = tpu.vector_load %arg7[%get3A_222] {strides = array<i32>} : memref<8192xf32, #tpu.memory_space<vmem>>, vector<16xf32>,
      tpu.vector_store_idx %arg8[%get3A_221], %get3A_223 {add = true} : memref<4096xf32, #tpu.memory_space<vmem>>[vector<16xi32>], vector<16xf32>,
      %mul3A_224 = arith.constant 128 : i32
      %mul3A_225 = arith.muli %add3A_132, %mul3A_224 : i32
      %add3A_226 = arith.constant 64 : i32
      %add3A_227 = arith.addi %mul3A_225, %add3A_226 : i32
      %get3A_228 = arith.index_cast %add3A_227 : i32 to index
      %get3A_229 = tpu.vector_load %arg5[%get3A_228] {strides = array<i32>} : memref<8192xi32, #tpu.memory_space<vmem>>, vector<16xi32>,
      %get3A_230 = arith.index_cast %add3A_227 : i32 to index
      %get3A_231 = tpu.vector_load %arg7[%get3A_230] {strides = array<i32>} : memref<8192xf32, #tpu.memory_space<vmem>>, vector<16xf32>,
      tpu.vector_store_idx %arg8[%get3A_229], %get3A_231 {add = true} : memref<4096xf32, #tpu.memory_space<vmem>>[vector<16xi32>], vector<16xf32>,
      %mul3A_232 = arith.constant 128 : i32
      %mul3A_233 = arith.muli %add3A_132, %mul3A_232 : i32
      %add3A_234 = arith.constant 80 : i32
      %add3A_235 = arith.addi %mul3A_233, %add3A_234 : i32
      %get3A_236 = arith.index_cast %add3A_235 : i32 to index
      %get3A_237 = tpu.vector_load %arg5[%get3A_236] {strides = array<i32>} : memref<8192xi32, #tpu.memory_space<vmem>>, vector<16xi32>,
      %get3A_238 = arith.index_cast %add3A_235 : i32 to index
      %get3A_239 = tpu.vector_load %arg7[%get3A_238] {strides = array<i32>} : memref<8192xf32, #tpu.memory_space<vmem>>, vector<16xf32>,
      tpu.vector_store_idx %arg8[%get3A_237], %get3A_239 {add = true} : memref<4096xf32, #tpu.memory_space<vmem>>[vector<16xi32>], vector<16xf32>,
      %mul3A_240 = arith.constant 128 : i32
      %mul3A_241 = arith.muli %add3A_132, %mul3A_240 : i32
      %add3A_242 = arith.constant 96 : i32
      %add3A_243 = arith.addi %mul3A_241, %add3A_242 : i32
      %get3A_244 = arith.index_cast %add3A_243 : i32 to index
      %get3A_245 = tpu.vector_load %arg5[%get3A_244] {strides = array<i32>} : memref<8192xi32, #tpu.memory_space<vmem>>, vector<16xi32>,
      %get3A_246 = arith.index_cast %add3A_243 : i32 to index
      %get3A_247 = tpu.vector_load %arg7[%get3A_246] {strides = array<i32>} : memref<8192xf32, #tpu.memory_space<vmem>>, vector<16xf32>,
      tpu.vector_store_idx %arg8[%get3A_245], %get3A_247 {add = true} : memref<4096xf32, #tpu.memory_space<vmem>>[vector<16xi32>], vector<16xf32>,
      %mul3A_248 = arith.constant 128 : i32
      %mul3A_249 = arith.muli %add3A_132, %mul3A_248 : i32
      %add3A_250 = arith.constant 112 : i32
      %add3A_251 = arith.addi %mul3A_249, %add3A_250 : i32
      %get3A_252 = arith.index_cast %add3A_251 : i32 to index
      %get3A_253 = tpu.vector_load %arg5[%get3A_252] {strides = array<i32>} : memref<8192xi32, #tpu.memory_space<vmem>>, vector<16xi32>,
      %get3A_254 = arith.index_cast %add3A_251 : i32 to index
      %get3A_255 = tpu.vector_load %arg7[%get3A_254] {strides = array<i32>} : memref<8192xf32, #tpu.memory_space<vmem>>, vector<16xf32>,
      tpu.vector_store_idx %arg8[%get3A_253], %get3A_255 {add = true} : memref<4096xf32, #tpu.memory_space<vmem>>[vector<16xi32>], vector<16xf32>,
      %add3A_256 = arith.addi %mul3A_6, %add3A_132 : i32
      %dma_start3A_257 = arith.constant 0 : i32
      %dma_start3A_258 = tpu.memref_slice %arg4[%add3A_256, %dma_start3A_257] : memref<2048x4096xf32, #tpu.memory_space<hbm>> -> memref<1x4096xf32, #tpu.memory_space<hbm>>
      %dma_start3A_259 = tpu.memref_squeeze %dma_start3A_258 : memref<1x4096xf32, #tpu.memory_space<hbm>> -> memref<4096xf32, #tpu.memory_space<hbm>>
      %dma_start3A_260 = arith.constant 0 : i32
      %dma_start3A_261 = tpu.memref_slice %arg4[%add3A_256, %dma_start3A_260] : memref<2048x4096xf32, #tpu.memory_space<hbm>> -> memref<1x4096xf32, #tpu.memory_space<hbm>>
      %dma_start3A_262 = tpu.memref_squeeze %dma_start3A_261 : memref<1x4096xf32, #tpu.memory_space<hbm>> -> memref<4096xf32, #tpu.memory_space<hbm>>
      tpu.enqueue_dma source(%arg8 : memref<4096xf32, #tpu.memory_space<vmem>>) target(%dma_start3A_262 : memref<4096xf32, #tpu.memory_space<hbm>>) target_semaphore(%arg10 : memref<!tpu.dma_semaphore, #tpu.memory_space<semaphore_mem>>)
      %add3A_263 = arith.constant 1 : i32
      %add3A_264 = arith.addi %add3A_130, %add3A_263 : i32
      %add3A_265 = arith.addi %mul3A_6, %add3A_264 : i32
      %sub3A_266 = arith.constant 2 : i32
      %sub3A_267 = arith.subi %add3A_265, %sub3A_266 : i32
      %dma_wait3A_268 = arith.constant 0 : i32
      %dma_wait3A_269 = tpu.memref_slice %arg4[%sub3A_267, %dma_wait3A_268] : memref<2048x4096xf32, #tpu.memory_space<hbm>> -> memref<1x4096xf32, #tpu.memory_space<hbm>>
      %dma_wait3A_270 = tpu.memref_squeeze %dma_wait3A_269 : memref<1x4096xf32, #tpu.memory_space<hbm>> -> memref<4096xf32, #tpu.memory_space<hbm>>
      %dma_wait3A_271 = arith.constant 0 : i32
      %dma_wait3A_272 = tpu.memref_slice %arg4[%sub3A_267, %dma_wait3A_271] : memref<2048x4096xf32, #tpu.memory_space<hbm>> -> memref<1x4096xf32, #tpu.memory_space<hbm>>
      %dma_wait3A_273 = tpu.memref_squeeze %dma_wait3A_272 : memref<1x4096xf32, #tpu.memory_space<hbm>> -> memref<4096xf32, #tpu.memory_space<hbm>>
      tpu.wait_dma2 semaphore(%arg11 : memref<!tpu.dma_semaphore, #tpu.memory_space<semaphore_mem>>) src(%arg9 : memref<4096xf32, #tpu.memory_space<vmem>>) dst(%dma_wait3A_273 : memref<4096xf32, #tpu.memory_space<hbm>>)
      %sub3A_274 = arith.constant 2 : i32
      %sub3A_275 = arith.subi %add3A_264, %sub3A_274 : i32
      %mul3A_276 = arith.constant 128 : i32
      %mul3A_277 = arith.muli %sub3A_275, %mul3A_276 : i32
      %add3A_278 = arith.constant 0 : i32
      %add3A_279 = arith.addi %mul3A_277, %add3A_278 : i32
      %get3A_280 = arith.index_cast %add3A_279 : i32 to index
      %get3A_281 = tpu.vector_load %arg5[%get3A_280] {strides = array<i32>} : memref<8192xi32, #tpu.memory_space<vmem>>, vector<16xi32>,
      tpu.vector_store_idx %arg9[%get3A_281], %broadcast_in_dim3A_15 : memref<4096xf32, #tpu.memory_space<vmem>>[vector<16xi32>], vector<16xf32>,
      %mul3A_282 = arith.constant 128 : i32
      %mul3A_283 = arith.muli %sub3A_275, %mul3A_282 : i32
      %add3A_284 = arith.constant 16 : i32
      %add3A_285 = arith.addi %mul3A_283, %add3A_284 : i32
      %get3A_286 = arith.index_cast %add3A_285 : i32 to index
      %get3A_287 = tpu.vector_load %arg5[%get3A_286] {strides = array<i32>} : memref<8192xi32, #tpu.memory_space<vmem>>, vector<16xi32>,
      tpu.vector_store_idx %arg9[%get3A_287], %broadcast_in_dim3A_15 : memref<4096xf32, #tpu.memory_space<vmem>>[vector<16xi32>], vector<16xf32>,
      %mul3A_288 = arith.constant 128 : i32
      %mul3A_289 = arith.muli %sub3A_275, %mul3A_288 : i32
      %add3A_290 = arith.constant 32 : i32
      %add3A_291 = arith.addi %mul3A_289, %add3A_290 : i32
      %get3A_292 = arith.index_cast %add3A_291 : i32 to index
      %get3A_293 = tpu.vector_load %arg5[%get3A_292] {strides = array<i32>} : memref<8192xi32, #tpu.memory_space<vmem>>, vector<16xi32>,
      tpu.vector_store_idx %arg9[%get3A_293], %broadcast_in_dim3A_15 : memref<4096xf32, #tpu.memory_space<vmem>>[vector<16xi32>], vector<16xf32>,
      %mul3A_294 = arith.constant 128 : i32
      %mul3A_295 = arith.muli %sub3A_275, %mul3A_294 : i32
      %add3A_296 = arith.constant 48 : i32
      %add3A_297 = arith.addi %mul3A_295, %add3A_296 : i32
      %get3A_298 = arith.index_cast %add3A_297 : i32 to index
      %get3A_299 = tpu.vector_load %arg5[%get3A_298] {strides = array<i32>} : memref<8192xi32, #tpu.memory_space<vmem>>, vector<16xi32>,
      tpu.vector_store_idx %arg9[%get3A_299], %broadcast_in_dim3A_15 : memref<4096xf32, #tpu.memory_space<vmem>>[vector<16xi32>], vector<16xf32>,
      %mul3A_300 = arith.constant 128 : i32
      %mul3A_301 = arith.muli %sub3A_275, %mul3A_300 : i32
      %add3A_302 = arith.constant 64 : i32
      %add3A_303 = arith.addi %mul3A_301, %add3A_302 : i32
      %get3A_304 = arith.index_cast %add3A_303 : i32 to index
      %get3A_305 = tpu.vector_load %arg5[%get3A_304] {strides = array<i32>} : memref<8192xi32, #tpu.memory_space<vmem>>, vector<16xi32>,
      tpu.vector_store_idx %arg9[%get3A_305], %broadcast_in_dim3A_15 : memref<4096xf32, #tpu.memory_space<vmem>>[vector<16xi32>], vector<16xf32>,
      %mul3A_306 = arith.constant 128 : i32
      %mul3A_307 = arith.muli %sub3A_275, %mul3A_306 : i32
      %add3A_308 = arith.constant 80 : i32
      %add3A_309 = arith.addi %mul3A_307, %add3A_308 : i32
      %get3A_310 = arith.index_cast %add3A_309 : i32 to index
      %get3A_311 = tpu.vector_load %arg5[%get3A_310] {strides = array<i32>} : memref<8192xi32, #tpu.memory_space<vmem>>, vector<16xi32>,
      tpu.vector_store_idx %arg9[%get3A_311], %broadcast_in_dim3A_15 : memref<4096xf32, #tpu.memory_space<vmem>>[vector<16xi32>], vector<16xf32>,
      %mul3A_312 = arith.constant 128 : i32
      %mul3A_313 = arith.muli %sub3A_275, %mul3A_312 : i32
      %add3A_314 = arith.constant 96 : i32
      %add3A_315 = arith.addi %mul3A_313, %add3A_314 : i32
      %get3A_316 = arith.index_cast %add3A_315 : i32 to index
      %get3A_317 = tpu.vector_load %arg5[%get3A_316] {strides = array<i32>} : memref<8192xi32, #tpu.memory_space<vmem>>, vector<16xi32>,
      tpu.vector_store_idx %arg9[%get3A_317], %broadcast_in_dim3A_15 : memref<4096xf32, #tpu.memory_space<vmem>>[vector<16xi32>], vector<16xf32>,
      %mul3A_318 = arith.constant 128 : i32
      %mul3A_319 = arith.muli %sub3A_275, %mul3A_318 : i32
      %add3A_320 = arith.constant 112 : i32
      %add3A_321 = arith.addi %mul3A_319, %add3A_320 : i32
      %get3A_322 = arith.index_cast %add3A_321 : i32 to index
      %get3A_323 = tpu.vector_load %arg5[%get3A_322] {strides = array<i32>} : memref<8192xi32, #tpu.memory_space<vmem>>, vector<16xi32>,
      tpu.vector_store_idx %arg9[%get3A_323], %broadcast_in_dim3A_15 : memref<4096xf32, #tpu.memory_space<vmem>>[vector<16xi32>], vector<16xf32>,
      %mul3A_324 = arith.constant 128 : i32
      %mul3A_325 = arith.muli %add3A_264, %mul3A_324 : i32
      %add3A_326 = arith.constant 0 : i32
      %add3A_327 = arith.addi %mul3A_325, %add3A_326 : i32
      %get3A_328 = arith.index_cast %add3A_327 : i32 to index
      %get3A_329 = tpu.vector_load %arg5[%get3A_328] {strides = array<i32>} : memref<8192xi32, #tpu.memory_space<vmem>>, vector<16xi32>,
      %get3A_330 = arith.index_cast %add3A_327 : i32 to index
      %get3A_331 = tpu.vector_load %arg7[%get3A_330] {strides = array<i32>} : memref<8192xf32, #tpu.memory_space<vmem>>, vector<16xf32>,
      tpu.vector_store_idx %arg9[%get3A_329], %get3A_331 {add = true} : memref<4096xf32, #tpu.memory_space<vmem>>[vector<16xi32>], vector<16xf32>,
      %mul3A_332 = arith.constant 128 : i32
      %mul3A_333 = arith.muli %add3A_264, %mul3A_332 : i32
      %add3A_334 = arith.constant 16 : i32
      %add3A_335 = arith.addi %mul3A_333, %add3A_334 : i32
      %get3A_336 = arith.index_cast %add3A_335 : i32 to index
      %get3A_337 = tpu.vector_load %arg5[%get3A_336] {strides = array<i32>} : memref<8192xi32, #tpu.memory_space<vmem>>, vector<16xi32>,
      %get3A_338 = arith.index_cast %add3A_335 : i32 to index
      %get3A_339 = tpu.vector_load %arg7[%get3A_338] {strides = array<i32>} : memref<8192xf32, #tpu.memory_space<vmem>>, vector<16xf32>,
      tpu.vector_store_idx %arg9[%get3A_337], %get3A_339 {add = true} : memref<4096xf32, #tpu.memory_space<vmem>>[vector<16xi32>], vector<16xf32>,
      %mul3A_340 = arith.constant 128 : i32
      %mul3A_341 = arith.muli %add3A_264, %mul3A_340 : i32
      %add3A_342 = arith.constant 32 : i32
      %add3A_343 = arith.addi %mul3A_341, %add3A_342 : i32
      %get3A_344 = arith.index_cast %add3A_343 : i32 to index
      %get3A_345 = tpu.vector_load %arg5[%get3A_344] {strides = array<i32>} : memref<8192xi32, #tpu.memory_space<vmem>>, vector<16xi32>,
      %get3A_346 = arith.index_cast %add3A_343 : i32 to index
      %get3A_347 = tpu.vector_load %arg7[%get3A_346] {strides = array<i32>} : memref<8192xf32, #tpu.memory_space<vmem>>, vector<16xf32>,
      tpu.vector_store_idx %arg9[%get3A_345], %get3A_347 {add = true} : memref<4096xf32, #tpu.memory_space<vmem>>[vector<16xi32>], vector<16xf32>,
      %mul3A_348 = arith.constant 128 : i32
      %mul3A_349 = arith.muli %add3A_264, %mul3A_348 : i32
      %add3A_350 = arith.constant 48 : i32
      %add3A_351 = arith.addi %mul3A_349, %add3A_350 : i32
      %get3A_352 = arith.index_cast %add3A_351 : i32 to index
      %get3A_353 = tpu.vector_load %arg5[%get3A_352] {strides = array<i32>} : memref<8192xi32, #tpu.memory_space<vmem>>, vector<16xi32>,
      %get3A_354 = arith.index_cast %add3A_351 : i32 to index
      %get3A_355 = tpu.vector_load %arg7[%get3A_354] {strides = array<i32>} : memref<8192xf32, #tpu.memory_space<vmem>>, vector<16xf32>,
      tpu.vector_store_idx %arg9[%get3A_353], %get3A_355 {add = true} : memref<4096xf32, #tpu.memory_space<vmem>>[vector<16xi32>], vector<16xf32>,
      %mul3A_356 = arith.constant 128 : i32
      %mul3A_357 = arith.muli %add3A_264, %mul3A_356 : i32
      %add3A_358 = arith.constant 64 : i32
      %add3A_359 = arith.addi %mul3A_357, %add3A_358 : i32
      %get3A_360 = arith.index_cast %add3A_359 : i32 to index
      %get3A_361 = tpu.vector_load %arg5[%get3A_360] {strides = array<i32>} : memref<8192xi32, #tpu.memory_space<vmem>>, vector<16xi32>,
      %get3A_362 = arith.index_cast %add3A_359 : i32 to index
      %get3A_363 = tpu.vector_load %arg7[%get3A_362] {strides = array<i32>} : memref<8192xf32, #tpu.memory_space<vmem>>, vector<16xf32>,
      tpu.vector_store_idx %arg9[%get3A_361], %get3A_363 {add = true} : memref<4096xf32, #tpu.memory_space<vmem>>[vector<16xi32>], vector<16xf32>,
      %mul3A_364 = arith.constant 128 : i32
      %mul3A_365 = arith.muli %add3A_264, %mul3A_364 : i32
      %add3A_366 = arith.constant 80 : i32
      %add3A_367 = arith.addi %mul3A_365, %add3A_366 : i32
      %get3A_368 = arith.index_cast %add3A_367 : i32 to index
      %get3A_369 = tpu.vector_load %arg5[%get3A_368] {strides = array<i32>} : memref<8192xi32, #tpu.memory_space<vmem>>, vector<16xi32>,
      %get3A_370 = arith.index_cast %add3A_367 : i32 to index
      %get3A_371 = tpu.vector_load %arg7[%get3A_370] {strides = array<i32>} : memref<8192xf32, #tpu.memory_space<vmem>>, vector<16xf32>,
      tpu.vector_store_idx %arg9[%get3A_369], %get3A_371 {add = true} : memref<4096xf32, #tpu.memory_space<vmem>>[vector<16xi32>], vector<16xf32>,
      %mul3A_372 = arith.constant 128 : i32
      %mul3A_373 = arith.muli %add3A_264, %mul3A_372 : i32
      %add3A_374 = arith.constant 96 : i32
      %add3A_375 = arith.addi %mul3A_373, %add3A_374 : i32
      %get3A_376 = arith.index_cast %add3A_375 : i32 to index
      %get3A_377 = tpu.vector_load %arg5[%get3A_376] {strides = array<i32>} : memref<8192xi32, #tpu.memory_space<vmem>>, vector<16xi32>,
      %get3A_378 = arith.index_cast %add3A_375 : i32 to index
      %get3A_379 = tpu.vector_load %arg7[%get3A_378] {strides = array<i32>} : memref<8192xf32, #tpu.memory_space<vmem>>, vector<16xf32>,
      tpu.vector_store_idx %arg9[%get3A_377], %get3A_379 {add = true} : memref<4096xf32, #tpu.memory_space<vmem>>[vector<16xi32>], vector<16xf32>,
      %mul3A_380 = arith.constant 128 : i32
      %mul3A_381 = arith.muli %add3A_264, %mul3A_380 : i32
      %add3A_382 = arith.constant 112 : i32
      %add3A_383 = arith.addi %mul3A_381, %add3A_382 : i32
      %get3A_384 = arith.index_cast %add3A_383 : i32 to index
      %get3A_385 = tpu.vector_load %arg5[%get3A_384] {strides = array<i32>} : memref<8192xi32, #tpu.memory_space<vmem>>, vector<16xi32>,
      %get3A_386 = arith.index_cast %add3A_383 : i32 to index
      %get3A_387 = tpu.vector_load %arg7[%get3A_386] {strides = array<i32>} : memref<8192xf32, #tpu.memory_space<vmem>>, vector<16xf32>,
      tpu.vector_store_idx %arg9[%get3A_385], %get3A_387 {add = true} : memref<4096xf32, #tpu.memory_space<vmem>>[vector<16xi32>], vector<16xf32>,
      %add3A_388 = arith.addi %mul3A_6, %add3A_264 : i32
      %dma_start3A_389 = arith.constant 0 : i32
      %dma_start3A_390 = tpu.memref_slice %arg4[%add3A_388, %dma_start3A_389] : memref<2048x4096xf32, #tpu.memory_space<hbm>> -> memref<1x4096xf32, #tpu.memory_space<hbm>>
      %dma_start3A_391 = tpu.memref_squeeze %dma_start3A_390 : memref<1x4096xf32, #tpu.memory_space<hbm>> -> memref<4096xf32, #tpu.memory_space<hbm>>
      %dma_start3A_392 = arith.constant 0 : i32
      %dma_start3A_393 = tpu.memref_slice %arg4[%add3A_388, %dma_start3A_392] : memref<2048x4096xf32, #tpu.memory_space<hbm>> -> memref<1x4096xf32, #tpu.memory_space<hbm>>
      %dma_start3A_394 = tpu.memref_squeeze %dma_start3A_393 : memref<1x4096xf32, #tpu.memory_space<hbm>> -> memref<4096xf32, #tpu.memory_space<hbm>>
      tpu.enqueue_dma source(%arg9 : memref<4096xf32, #tpu.memory_space<vmem>>) target(%dma_start3A_394 : memref<4096xf32, #tpu.memory_space<hbm>>) target_semaphore(%arg11 : memref<!tpu.dma_semaphore, #tpu.memory_space<semaphore_mem>>)
    }
    %scan3A_103 = arith.constant 31 : i32
    %add3A_104 = arith.constant 64 : i32
    %add3A_105 = arith.addi %mul3A_6, %add3A_104 : i32
    %sub3A = arith.constant 2 : i32
    %sub3A_106 = arith.subi %add3A_105, %sub3A : i32
    %add3A_107 = arith.constant 0 : i32
    %add3A_108 = arith.addi %sub3A_106, %add3A_107 : i32
    %dma_wait3A = arith.constant 0 : i32
    %dma_wait3A_109 = tpu.memref_slice %arg4[%add3A_108, %dma_wait3A] : memref<2048x4096xf32, #tpu.memory_space<hbm>> -> memref<1x4096xf32, #tpu.memory_space<hbm>>
    %dma_wait3A_110 = tpu.memref_squeeze %dma_wait3A_109 : memref<1x4096xf32, #tpu.memory_space<hbm>> -> memref<4096xf32, #tpu.memory_space<hbm>>
    %dma_wait3A_111 = arith.constant 0 : i32
    %dma_wait3A_112 = tpu.memref_slice %arg4[%add3A_108, %dma_wait3A_111] : memref<2048x4096xf32, #tpu.memory_space<hbm>> -> memref<1x4096xf32, #tpu.memory_space<hbm>>
    %dma_wait3A_113 = tpu.memref_squeeze %dma_wait3A_112 : memref<1x4096xf32, #tpu.memory_space<hbm>> -> memref<4096xf32, #tpu.memory_space<hbm>>
    tpu.wait_dma2 semaphore(%arg10 : memref<!tpu.dma_semaphore, #tpu.memory_space<semaphore_mem>>) src(%arg8 : memref<4096xf32, #tpu.memory_space<vmem>>) dst(%dma_wait3A_113 : memref<4096xf32, #tpu.memory_space<hbm>>)
    %add3A_114 = arith.constant 64 : i32
    %add3A_115 = arith.addi %mul3A_6, %add3A_114 : i32
    %sub3A_116 = arith.constant 2 : i32
    %sub3A_117 = arith.subi %add3A_115, %sub3A_116 : i32
    %add3A_118 = arith.constant 1 : i32
    %add3A_119 = arith.addi %sub3A_117, %add3A_118 : i32
    %dma_wait3A_120 = arith.constant 0 : i32
    %dma_wait3A_121 = tpu.memref_slice %arg4[%add3A_119, %dma_wait3A_120] : memref<2048x4096xf32, #tpu.memory_space<hbm>> -> memref<1x4096xf32, #tpu.memory_space<hbm>>
    %dma_wait3A_122 = tpu.memref_squeeze %dma_wait3A_121 : memref<1x4096xf32, #tpu.memory_space<hbm>> -> memref<4096xf32, #tpu.memory_space<hbm>>
    %dma_wait3A_123 = arith.constant 0 : i32
    %dma_wait3A_124 = tpu.memref_slice %arg4[%add3A_119, %dma_wait3A_123] : memref<2048x4096xf32, #tpu.memory_space<hbm>> -> memref<1x4096xf32, #tpu.memory_space<hbm>>
    %dma_wait3A_125 = tpu.memref_squeeze %dma_wait3A_124 : memref<1x4096xf32, #tpu.memory_space<hbm>> -> memref<4096xf32, #tpu.memory_space<hbm>>
    tpu.wait_dma2 semaphore(%arg11 : memref<!tpu.dma_semaphore, #tpu.memory_space<semaphore_mem>>) src(%arg9 : memref<4096xf32, #tpu.memory_space<vmem>>) dst(%dma_wait3A_125 : memref<4096xf32, #tpu.memory_space<hbm>>)
    return
  }
}

#map = affine_map<(d0, d1) -> (0)>
#map1 = affine_map<(d0, d1) -> (0, 0)>
module attributes {stable_mosaic.version = 14 : i64} {
  func.func @build(%arg0: i32, %arg1: i32, %arg2: memref<524288xi32, #tpu.memory_space<hbm>>, %arg3: memref<16384xf32, #tpu.memory_space<hbm>>, %arg4: memref<2048x4096xf32, #tpu.memory_space<hbm>>, %arg5: memref<8192xi32, #tpu.memory_space<vmem>>, %arg6: memref<256xf32, #tpu.memory_space<vmem>>, %arg7: memref<8192xf32, #tpu.memory_space<vmem>>, %arg8: memref<4096xf32, #tpu.memory_space<vmem>>, %arg9: memref<4096xf32, #tpu.memory_space<vmem>>, %arg10: memref<!tpu.dma_semaphore, #tpu.memory_space<semaphore_mem>>, %arg11: memref<!tpu.dma_semaphore, #tpu.memory_space<semaphore_mem>>) attributes {dimension_semantics = [#tpu.dimension_semantics<core_parallel>, #tpu.dimension_semantics<subcore_parallel>], iteration_bounds = array<i64: 2, 16>, scalar_prefetch = 0 : i64, scratch_operands = 7 : i64, tpu.core_type = #tpu.core_type<sc_vector_subcore>, window_params = [{transform_indices = #map}, {transform_indices = #map}, {transform_indices = #map1}]} {
    %mul3A = arith.constant 2 : i32
    %mul3A_0 = arith.muli %arg1, %mul3A : i32
    %add3A = arith.addi %mul3A_0, %arg0 : i32
    %mul3A_1 = arith.constant 64 : i32
    %mul3A_2 = arith.muli %add3A, %mul3A_1 : i32
    %add3A_3 = arith.constant 2048 : i32
    %add3A_4 = arith.addi %add3A_3, %mul3A_2 : i32
    %mul3A_5 = arith.constant 64 : i32
    %mul3A_6 = arith.muli %add3A, %mul3A_5 : i32
    %mul3A_7 = arith.constant 128 : i32
    %mul3A_8 = arith.muli %add3A_4, %mul3A_7 : i32
    "tpu.region"() ({
      %run_scoped3A = tpu.sem_alloc : memref<!tpu.dma_semaphore, #tpu.memory_space<semaphore_mem>>
      %dma_start3A_126 = tpu.memref_slice %arg2[%mul3A_8] : memref<524288xi32, #tpu.memory_space<hbm>> -> memref<8192xi32, #tpu.memory_space<hbm>>
      %dma_start3A_127 = tpu.memref_slice %arg2[%mul3A_8] : memref<524288xi32, #tpu.memory_space<hbm>> -> memref<8192xi32, #tpu.memory_space<hbm>>
      tpu.enqueue_dma source(%dma_start3A_127 : memref<8192xi32, #tpu.memory_space<hbm>>) target(%arg5 : memref<8192xi32, #tpu.memory_space<vmem>>) target_semaphore(%run_scoped3A : memref<!tpu.dma_semaphore, #tpu.memory_space<semaphore_mem>>)
      %dma_wait3A_128 = tpu.memref_slice %arg2[%mul3A_8] : memref<524288xi32, #tpu.memory_space<hbm>> -> memref<8192xi32, #tpu.memory_space<hbm>>
      %dma_wait3A_129 = tpu.memref_slice %arg2[%mul3A_8] : memref<524288xi32, #tpu.memory_space<hbm>> -> memref<8192xi32, #tpu.memory_space<hbm>>
      tpu.wait_dma2 semaphore(%run_scoped3A : memref<!tpu.dma_semaphore, #tpu.memory_space<semaphore_mem>>) src(%dma_wait3A_129 : memref<8192xi32, #tpu.memory_space<hbm>>) dst(%arg5 : memref<8192xi32, #tpu.memory_space<vmem>>)
      tpu.yield
    }) : () -> ()
    %mul3A_9 = arith.constant 4 : i32
    %mul3A_10 = arith.muli %add3A_4, %mul3A_9 : i32
    "tpu.region"() ({
      %run_scoped3A = tpu.sem_alloc : memref<!tpu.dma_semaphore, #tpu.memory_space<semaphore_mem>>
      %dma_start3A_126 = tpu.memref_slice %arg3[%mul3A_10] : memref<16384xf32, #tpu.memory_space<hbm>> -> memref<256xf32, #tpu.memory_space<hbm>>
      %dma_start3A_127 = tpu.memref_slice %arg3[%mul3A_10] : memref<16384xf32, #tpu.memory_space<hbm>> -> memref<256xf32, #tpu.memory_space<hbm>>
      tpu.enqueue_dma source(%dma_start3A_127 : memref<256xf32, #tpu.memory_space<hbm>>) target(%arg6 : memref<256xf32, #tpu.memory_space<vmem>>) target_semaphore(%run_scoped3A : memref<!tpu.dma_semaphore, #tpu.memory_space<semaphore_mem>>)
      %dma_wait3A_128 = tpu.memref_slice %arg3[%mul3A_10] : memref<16384xf32, #tpu.memory_space<hbm>> -> memref<256xf32, #tpu.memory_space<hbm>>
      %dma_wait3A_129 = tpu.memref_slice %arg3[%mul3A_10] : memref<16384xf32, #tpu.memory_space<hbm>> -> memref<256xf32, #tpu.memory_space<hbm>>
      tpu.wait_dma2 semaphore(%run_scoped3A : memref<!tpu.dma_semaphore, #tpu.memory_space<semaphore_mem>>) src(%dma_wait3A_129 : memref<256xf32, #tpu.memory_space<hbm>>) dst(%arg6 : memref<256xf32, #tpu.memory_space<vmem>>)
      tpu.yield
    }) : () -> ()
    %scan3A = arith.constant 0 : i32
    %scan3A_11 = arith.constant 256 : i32
    %scan3A_12 = arith.addi %scan3A, %scan3A_11 : i32
    %scan3A_13 = arith.constant 1 : i32
    scf.for %scan3A_126 = %scan3A to %scan3A_12 step %scan3A_13  : i32 {
      %mul3A_127 = arith.constant 1 : i32
      %mul3A_128 = arith.muli %scan3A_126, %mul3A_127 : i32
      %add3A_129 = arith.constant 0 : i32
      %add3A_130 = arith.addi %add3A_129, %mul3A_128 : i32
      %broadcast_in_dim3A_131 = vector.broadcast %add3A_130 : i32 to vector<16xi32>
      %gather3A = tpu.vector_load_idx %arg6[%broadcast_in_dim3A_131] : memref<256xf32, #tpu.memory_space<vmem>>[vector<16xi32>], vector<16xf32>,
      %mul3A_132 = arith.constant 32 : i32
      %mul3A_133 = arith.muli %add3A_130, %mul3A_132 : i32
      %swap3A = arith.index_cast %mul3A_133 : i32 to index
      %swap3A_134 = tpu.vector_load %arg7[%swap3A] {strides = array<i32>} : memref<8192xf32, #tpu.memory_space<vmem>>, vector<16xf32>,
      tpu.vector_store %arg7[%swap3A], %gather3A {strides = array<i32>} : memref<8192xf32, #tpu.memory_space<vmem>>, vector<16xf32>,
      %mul3A_135 = arith.constant 32 : i32
      %mul3A_136 = arith.muli %add3A_130, %mul3A_135 : i32
      %add3A_137 = arith.constant 16 : i32
      %add3A_138 = arith.addi %mul3A_136, %add3A_137 : i32
      %swap3A_139 = arith.index_cast %add3A_138 : i32 to index
      %swap3A_140 = tpu.vector_load %arg7[%swap3A_139] {strides = array<i32>} : memref<8192xf32, #tpu.memory_space<vmem>>, vector<16xf32>,
      tpu.vector_store %arg7[%swap3A_139], %gather3A {strides = array<i32>} : memref<8192xf32, #tpu.memory_space<vmem>>, vector<16xf32>,
    }
    %scan3A_14 = arith.constant 256 : i32
    %broadcast_in_dim3A = arith.constant 0.000000e+00 : f32
    %broadcast_in_dim3A_15 = vector.broadcast %broadcast_in_dim3A : f32 to vector<16xf32>
    %scan3A_16 = arith.constant 0 : i32
    %scan3A_17 = arith.constant 256 : i32
    %scan3A_18 = arith.addi %scan3A_16, %scan3A_17 : i32
    %scan3A_19 = arith.constant 1 : i32
    scf.for %scan3A_126 = %scan3A_16 to %scan3A_18 step %scan3A_19  : i32 {
      %mul3A_127 = arith.constant 16 : i32
      %mul3A_128 = arith.muli %scan3A_126, %mul3A_127 : i32
      %add3A_129 = arith.constant 0 : i32
      %add3A_130 = arith.addi %add3A_129, %mul3A_128 : i32
      %swap3A = arith.index_cast %add3A_130 : i32 to index
      %swap3A_131 = tpu.vector_load %arg8[%swap3A] {strides = array<i32>} : memref<4096xf32, #tpu.memory_space<vmem>>, vector<16xf32>,
      tpu.vector_store %arg8[%swap3A], %broadcast_in_dim3A_15 {strides = array<i32>} : memref<4096xf32, #tpu.memory_space<vmem>>, vector<16xf32>,
      %swap3A_132 = arith.index_cast %add3A_130 : i32 to index
      %swap3A_133 = tpu.vector_load %arg9[%swap3A_132] {strides = array<i32>} : memref<4096xf32, #tpu.memory_space<vmem>>, vector<16xf32>,
      tpu.vector_store %arg9[%swap3A_132], %broadcast_in_dim3A_15 {strides = array<i32>} : memref<4096xf32, #tpu.memory_space<vmem>>, vector<16xf32>,
    }
    %scan3A_20 = arith.constant 256 : i32
    %get3A = arith.constant 0 : index
    %get3A_21 = tpu.vector_load %arg5[%get3A] {strides = array<i32>} : memref<8192xi32, #tpu.memory_space<vmem>>, vector<16xi32>,
    %get3A_22 = arith.constant 0 : index
    %get3A_23 = tpu.vector_load %arg7[%get3A_22] {strides = array<i32>} : memref<8192xf32, #tpu.memory_space<vmem>>, vector<16xf32>,
    tpu.vector_store_idx %arg8[%get3A_21], %get3A_23 {add = true} : memref<4096xf32, #tpu.memory_space<vmem>>[vector<16xi32>], vector<16xf32>,
    %get3A_24 = arith.constant 16 : index
    %get3A_25 = tpu.vector_load %arg5[%get3A_24] {strides = array<i32>} : memref<8192xi32, #tpu.memory_space<vmem>>, vector<16xi32>,
    %get3A_26 = arith.constant 16 : index
    %get3A_27 = tpu.vector_load %arg7[%get3A_26] {strides = array<i32>} : memref<8192xf32, #tpu.memory_space<vmem>>, vector<16xf32>,
    tpu.vector_store_idx %arg8[%get3A_25], %get3A_27 {add = true} : memref<4096xf32, #tpu.memory_space<vmem>>[vector<16xi32>], vector<16xf32>,
    %get3A_28 = arith.constant 32 : index
    %get3A_29 = tpu.vector_load %arg5[%get3A_28] {strides = array<i32>} : memref<8192xi32, #tpu.memory_space<vmem>>, vector<16xi32>,
    %get3A_30 = arith.constant 32 : index
    %get3A_31 = tpu.vector_load %arg7[%get3A_30] {strides = array<i32>} : memref<8192xf32, #tpu.memory_space<vmem>>, vector<16xf32>,
    tpu.vector_store_idx %arg8[%get3A_29], %get3A_31 {add = true} : memref<4096xf32, #tpu.memory_space<vmem>>[vector<16xi32>], vector<16xf32>,
    %get3A_32 = arith.constant 48 : index
    %get3A_33 = tpu.vector_load %arg5[%get3A_32] {strides = array<i32>} : memref<8192xi32, #tpu.memory_space<vmem>>, vector<16xi32>,
    %get3A_34 = arith.constant 48 : index
    %get3A_35 = tpu.vector_load %arg7[%get3A_34] {strides = array<i32>} : memref<8192xf32, #tpu.memory_space<vmem>>, vector<16xf32>,
    tpu.vector_store_idx %arg8[%get3A_33], %get3A_35 {add = true} : memref<4096xf32, #tpu.memory_space<vmem>>[vector<16xi32>], vector<16xf32>,
    %get3A_36 = arith.constant 64 : index
    %get3A_37 = tpu.vector_load %arg5[%get3A_36] {strides = array<i32>} : memref<8192xi32, #tpu.memory_space<vmem>>, vector<16xi32>,
    %get3A_38 = arith.constant 64 : index
    %get3A_39 = tpu.vector_load %arg7[%get3A_38] {strides = array<i32>} : memref<8192xf32, #tpu.memory_space<vmem>>, vector<16xf32>,
    tpu.vector_store_idx %arg8[%get3A_37], %get3A_39 {add = true} : memref<4096xf32, #tpu.memory_space<vmem>>[vector<16xi32>], vector<16xf32>,
    %get3A_40 = arith.constant 80 : index
    %get3A_41 = tpu.vector_load %arg5[%get3A_40] {strides = array<i32>} : memref<8192xi32, #tpu.memory_space<vmem>>, vector<16xi32>,
    %get3A_42 = arith.constant 80 : index
    %get3A_43 = tpu.vector_load %arg7[%get3A_42] {strides = array<i32>} : memref<8192xf32, #tpu.memory_space<vmem>>, vector<16xf32>,
    tpu.vector_store_idx %arg8[%get3A_41], %get3A_43 {add = true} : memref<4096xf32, #tpu.memory_space<vmem>>[vector<16xi32>], vector<16xf32>,
    %get3A_44 = arith.constant 96 : index
    %get3A_45 = tpu.vector_load %arg5[%get3A_44] {strides = array<i32>} : memref<8192xi32, #tpu.memory_space<vmem>>, vector<16xi32>,
    %get3A_46 = arith.constant 96 : index
    %get3A_47 = tpu.vector_load %arg7[%get3A_46] {strides = array<i32>} : memref<8192xf32, #tpu.memory_space<vmem>>, vector<16xf32>,
    tpu.vector_store_idx %arg8[%get3A_45], %get3A_47 {add = true} : memref<4096xf32, #tpu.memory_space<vmem>>[vector<16xi32>], vector<16xf32>,
    %get3A_48 = arith.constant 112 : index
    %get3A_49 = tpu.vector_load %arg5[%get3A_48] {strides = array<i32>} : memref<8192xi32, #tpu.memory_space<vmem>>, vector<16xi32>,
    %get3A_50 = arith.constant 112 : index
    %get3A_51 = tpu.vector_load %arg7[%get3A_50] {strides = array<i32>} : memref<8192xf32, #tpu.memory_space<vmem>>, vector<16xf32>,
    tpu.vector_store_idx %arg8[%get3A_49], %get3A_51 {add = true} : memref<4096xf32, #tpu.memory_space<vmem>>[vector<16xi32>], vector<16xf32>,
    %add3A_52 = arith.constant 0 : i32
    %add3A_53 = arith.addi %mul3A_6, %add3A_52 : i32
    %dma_start3A = arith.constant 0 : i32
    %dma_start3A_54 = tpu.memref_slice %arg4[%add3A_53, %dma_start3A] : memref<2048x4096xf32, #tpu.memory_space<hbm>> -> memref<1x4096xf32, #tpu.memory_space<hbm>>
    %dma_start3A_55 = tpu.memref_squeeze %dma_start3A_54 : memref<1x4096xf32, #tpu.memory_space<hbm>> -> memref<4096xf32, #tpu.memory_space<hbm>>
    %dma_start3A_56 = arith.constant 0 : i32
    %dma_start3A_57 = tpu.memref_slice %arg4[%add3A_53, %dma_start3A_56] : memref<2048x4096xf32, #tpu.memory_space<hbm>> -> memref<1x4096xf32, #tpu.memory_space<hbm>>
    %dma_start3A_58 = tpu.memref_squeeze %dma_start3A_57 : memref<1x4096xf32, #tpu.memory_space<hbm>> -> memref<4096xf32, #tpu.memory_space<hbm>>
    tpu.enqueue_dma source(%arg8 : memref<4096xf32, #tpu.memory_space<vmem>>) target(%dma_start3A_58 : memref<4096xf32, #tpu.memory_space<hbm>>) target_semaphore(%arg10 : memref<!tpu.dma_semaphore, #tpu.memory_space<semaphore_mem>>)
    %get3A_59 = arith.constant 128 : index
    %get3A_60 = tpu.vector_load %arg5[%get3A_59] {strides = array<i32>} : memref<8192xi32, #tpu.memory_space<vmem>>, vector<16xi32>,
    %get3A_61 = arith.constant 128 : index
    %get3A_62 = tpu.vector_load %arg7[%get3A_61] {strides = array<i32>} : memref<8192xf32, #tpu.memory_space<vmem>>, vector<16xf32>,
    tpu.vector_store_idx %arg9[%get3A_60], %get3A_62 {add = true} : memref<4096xf32, #tpu.memory_space<vmem>>[vector<16xi32>], vector<16xf32>,
    %get3A_63 = arith.constant 144 : index
    %get3A_64 = tpu.vector_load %arg5[%get3A_63] {strides = array<i32>} : memref<8192xi32, #tpu.memory_space<vmem>>, vector<16xi32>,
    %get3A_65 = arith.constant 144 : index
    %get3A_66 = tpu.vector_load %arg7[%get3A_65] {strides = array<i32>} : memref<8192xf32, #tpu.memory_space<vmem>>, vector<16xf32>,
    tpu.vector_store_idx %arg9[%get3A_64], %get3A_66 {add = true} : memref<4096xf32, #tpu.memory_space<vmem>>[vector<16xi32>], vector<16xf32>,
    %get3A_67 = arith.constant 160 : index
    %get3A_68 = tpu.vector_load %arg5[%get3A_67] {strides = array<i32>} : memref<8192xi32, #tpu.memory_space<vmem>>, vector<16xi32>,
    %get3A_69 = arith.constant 160 : index
    %get3A_70 = tpu.vector_load %arg7[%get3A_69] {strides = array<i32>} : memref<8192xf32, #tpu.memory_space<vmem>>, vector<16xf32>,
    tpu.vector_store_idx %arg9[%get3A_68], %get3A_70 {add = true} : memref<4096xf32, #tpu.memory_space<vmem>>[vector<16xi32>], vector<16xf32>,
    %get3A_71 = arith.constant 176 : index
    %get3A_72 = tpu.vector_load %arg5[%get3A_71] {strides = array<i32>} : memref<8192xi32, #tpu.memory_space<vmem>>, vector<16xi32>,
    %get3A_73 = arith.constant 176 : index
    %get3A_74 = tpu.vector_load %arg7[%get3A_73] {strides = array<i32>} : memref<8192xf32, #tpu.memory_space<vmem>>, vector<16xf32>,
    tpu.vector_store_idx %arg9[%get3A_72], %get3A_74 {add = true} : memref<4096xf32, #tpu.memory_space<vmem>>[vector<16xi32>], vector<16xf32>,
    %get3A_75 = arith.constant 192 : index
    %get3A_76 = tpu.vector_load %arg5[%get3A_75] {strides = array<i32>} : memref<8192xi32, #tpu.memory_space<vmem>>, vector<16xi32>,
    %get3A_77 = arith.constant 192 : index
    %get3A_78 = tpu.vector_load %arg7[%get3A_77] {strides = array<i32>} : memref<8192xf32, #tpu.memory_space<vmem>>, vector<16xf32>,
    tpu.vector_store_idx %arg9[%get3A_76], %get3A_78 {add = true} : memref<4096xf32, #tpu.memory_space<vmem>>[vector<16xi32>], vector<16xf32>,
    %get3A_79 = arith.constant 208 : index
    %get3A_80 = tpu.vector_load %arg5[%get3A_79] {strides = array<i32>} : memref<8192xi32, #tpu.memory_space<vmem>>, vector<16xi32>,
    %get3A_81 = arith.constant 208 : index
    %get3A_82 = tpu.vector_load %arg7[%get3A_81] {strides = array<i32>} : memref<8192xf32, #tpu.memory_space<vmem>>, vector<16xf32>,
    tpu.vector_store_idx %arg9[%get3A_80], %get3A_82 {add = true} : memref<4096xf32, #tpu.memory_space<vmem>>[vector<16xi32>], vector<16xf32>,
    %get3A_83 = arith.constant 224 : index
    %get3A_84 = tpu.vector_load %arg5[%get3A_83] {strides = array<i32>} : memref<8192xi32, #tpu.memory_space<vmem>>, vector<16xi32>,
    %get3A_85 = arith.constant 224 : index
    %get3A_86 = tpu.vector_load %arg7[%get3A_85] {strides = array<i32>} : memref<8192xf32, #tpu.memory_space<vmem>>, vector<16xf32>,
    tpu.vector_store_idx %arg9[%get3A_84], %get3A_86 {add = true} : memref<4096xf32, #tpu.memory_space<vmem>>[vector<16xi32>], vector<16xf32>,
    %get3A_87 = arith.constant 240 : index
    %get3A_88 = tpu.vector_load %arg5[%get3A_87] {strides = array<i32>} : memref<8192xi32, #tpu.memory_space<vmem>>, vector<16xi32>,
    %get3A_89 = arith.constant 240 : index
    %get3A_90 = tpu.vector_load %arg7[%get3A_89] {strides = array<i32>} : memref<8192xf32, #tpu.memory_space<vmem>>, vector<16xf32>,
    tpu.vector_store_idx %arg9[%get3A_88], %get3A_90 {add = true} : memref<4096xf32, #tpu.memory_space<vmem>>[vector<16xi32>], vector<16xf32>,
    %add3A_91 = arith.constant 1 : i32
    %add3A_92 = arith.addi %mul3A_6, %add3A_91 : i32
    %dma_start3A_93 = arith.constant 0 : i32
    %dma_start3A_94 = tpu.memref_slice %arg4[%add3A_92, %dma_start3A_93] : memref<2048x4096xf32, #tpu.memory_space<hbm>> -> memref<1x4096xf32, #tpu.memory_space<hbm>>
    %dma_start3A_95 = tpu.memref_squeeze %dma_start3A_94 : memref<1x4096xf32, #tpu.memory_space<hbm>> -> memref<4096xf32, #tpu.memory_space<hbm>>
    %dma_start3A_96 = arith.constant 0 : i32
    %dma_start3A_97 = tpu.memref_slice %arg4[%add3A_92, %dma_start3A_96] : memref<2048x4096xf32, #tpu.memory_space<hbm>> -> memref<1x4096xf32, #tpu.memory_space<hbm>>
    %dma_start3A_98 = tpu.memref_squeeze %dma_start3A_97 : memref<1x4096xf32, #tpu.memory_space<hbm>> -> memref<4096xf32, #tpu.memory_space<hbm>>
    tpu.enqueue_dma source(%arg9 : memref<4096xf32, #tpu.memory_space<vmem>>) target(%dma_start3A_98 : memref<4096xf32, #tpu.memory_space<hbm>>) target_semaphore(%arg11 : memref<!tpu.dma_semaphore, #tpu.memory_space<semaphore_mem>>)
    %scan3A_99 = arith.constant 0 : i32
    %scan3A_100 = arith.constant 31 : i32
    %scan3A_101 = arith.addi %scan3A_99, %scan3A_100 : i32
    %scan3A_102 = arith.constant 1 : i32
    scf.for %scan3A_126 = %scan3A_99 to %scan3A_101 step %scan3A_102  : i32 {
      %mul3A_127 = arith.constant 2 : i32
      %mul3A_128 = arith.muli %scan3A_126, %mul3A_127 : i32
      %add3A_129 = arith.constant 2 : i32
      %add3A_130 = arith.addi %add3A_129, %mul3A_128 : i32
      %add3A_131 = arith.constant 0 : i32
      %add3A_132 = arith.addi %add3A_130, %add3A_131 : i32
      %add3A_133 = arith.addi %mul3A_6, %add3A_132 : i32
      %sub3A_134 = arith.constant 2 : i32
      %sub3A_135 = arith.subi %add3A_133, %sub3A_134 : i32
      %dma_wait3A_136 = arith.constant 0 : i32
      %dma_wait3A_137 = tpu.memref_slice %arg4[%sub3A_135, %dma_wait3A_136] : memref<2048x4096xf32, #tpu.memory_space<hbm>> -> memref<1x4096xf32, #tpu.memory_space<hbm>>
      %dma_wait3A_138 = tpu.memref_squeeze %dma_wait3A_137 : memref<1x4096xf32, #tpu.memory_space<hbm>> -> memref<4096xf32, #tpu.memory_space<hbm>>
      %dma_wait3A_139 = arith.constant 0 : i32
      %dma_wait3A_140 = tpu.memref_slice %arg4[%sub3A_135, %dma_wait3A_139] : memref<2048x4096xf32, #tpu.memory_space<hbm>> -> memref<1x4096xf32, #tpu.memory_space<hbm>>
      %dma_wait3A_141 = tpu.memref_squeeze %dma_wait3A_140 : memref<1x4096xf32, #tpu.memory_space<hbm>> -> memref<4096xf32, #tpu.memory_space<hbm>>
      tpu.wait_dma2 semaphore(%arg10 : memref<!tpu.dma_semaphore, #tpu.memory_space<semaphore_mem>>) src(%arg8 : memref<4096xf32, #tpu.memory_space<vmem>>) dst(%dma_wait3A_141 : memref<4096xf32, #tpu.memory_space<hbm>>)
      %sub3A_142 = arith.constant 2 : i32
      %sub3A_143 = arith.subi %add3A_132, %sub3A_142 : i32
      %mul3A_144 = arith.constant 128 : i32
      %mul3A_145 = arith.muli %sub3A_143, %mul3A_144 : i32
      %add3A_146 = arith.constant 0 : i32
      %add3A_147 = arith.addi %mul3A_145, %add3A_146 : i32
      %get3A_148 = arith.index_cast %add3A_147 : i32 to index
      %get3A_149 = tpu.vector_load %arg5[%get3A_148] {strides = array<i32>} : memref<8192xi32, #tpu.memory_space<vmem>>, vector<16xi32>,
      tpu.vector_store_idx %arg8[%get3A_149], %broadcast_in_dim3A_15 : memref<4096xf32, #tpu.memory_space<vmem>>[vector<16xi32>], vector<16xf32>,
      %mul3A_150 = arith.constant 128 : i32
      %mul3A_151 = arith.muli %sub3A_143, %mul3A_150 : i32
      %add3A_152 = arith.constant 16 : i32
      %add3A_153 = arith.addi %mul3A_151, %add3A_152 : i32
      %get3A_154 = arith.index_cast %add3A_153 : i32 to index
      %get3A_155 = tpu.vector_load %arg5[%get3A_154] {strides = array<i32>} : memref<8192xi32, #tpu.memory_space<vmem>>, vector<16xi32>,
      tpu.vector_store_idx %arg8[%get3A_155], %broadcast_in_dim3A_15 : memref<4096xf32, #tpu.memory_space<vmem>>[vector<16xi32>], vector<16xf32>,
      %mul3A_156 = arith.constant 128 : i32
      %mul3A_157 = arith.muli %sub3A_143, %mul3A_156 : i32
      %add3A_158 = arith.constant 32 : i32
      %add3A_159 = arith.addi %mul3A_157, %add3A_158 : i32
      %get3A_160 = arith.index_cast %add3A_159 : i32 to index
      %get3A_161 = tpu.vector_load %arg5[%get3A_160] {strides = array<i32>} : memref<8192xi32, #tpu.memory_space<vmem>>, vector<16xi32>,
      tpu.vector_store_idx %arg8[%get3A_161], %broadcast_in_dim3A_15 : memref<4096xf32, #tpu.memory_space<vmem>>[vector<16xi32>], vector<16xf32>,
      %mul3A_162 = arith.constant 128 : i32
      %mul3A_163 = arith.muli %sub3A_143, %mul3A_162 : i32
      %add3A_164 = arith.constant 48 : i32
      %add3A_165 = arith.addi %mul3A_163, %add3A_164 : i32
      %get3A_166 = arith.index_cast %add3A_165 : i32 to index
      %get3A_167 = tpu.vector_load %arg5[%get3A_166] {strides = array<i32>} : memref<8192xi32, #tpu.memory_space<vmem>>, vector<16xi32>,
      tpu.vector_store_idx %arg8[%get3A_167], %broadcast_in_dim3A_15 : memref<4096xf32, #tpu.memory_space<vmem>>[vector<16xi32>], vector<16xf32>,
      %mul3A_168 = arith.constant 128 : i32
      %mul3A_169 = arith.muli %sub3A_143, %mul3A_168 : i32
      %add3A_170 = arith.constant 64 : i32
      %add3A_171 = arith.addi %mul3A_169, %add3A_170 : i32
      %get3A_172 = arith.index_cast %add3A_171 : i32 to index
      %get3A_173 = tpu.vector_load %arg5[%get3A_172] {strides = array<i32>} : memref<8192xi32, #tpu.memory_space<vmem>>, vector<16xi32>,
      tpu.vector_store_idx %arg8[%get3A_173], %broadcast_in_dim3A_15 : memref<4096xf32, #tpu.memory_space<vmem>>[vector<16xi32>], vector<16xf32>,
      %mul3A_174 = arith.constant 128 : i32
      %mul3A_175 = arith.muli %sub3A_143, %mul3A_174 : i32
      %add3A_176 = arith.constant 80 : i32
      %add3A_177 = arith.addi %mul3A_175, %add3A_176 : i32
      %get3A_178 = arith.index_cast %add3A_177 : i32 to index
      %get3A_179 = tpu.vector_load %arg5[%get3A_178] {strides = array<i32>} : memref<8192xi32, #tpu.memory_space<vmem>>, vector<16xi32>,
      tpu.vector_store_idx %arg8[%get3A_179], %broadcast_in_dim3A_15 : memref<4096xf32, #tpu.memory_space<vmem>>[vector<16xi32>], vector<16xf32>,
      %mul3A_180 = arith.constant 128 : i32
      %mul3A_181 = arith.muli %sub3A_143, %mul3A_180 : i32
      %add3A_182 = arith.constant 96 : i32
      %add3A_183 = arith.addi %mul3A_181, %add3A_182 : i32
      %get3A_184 = arith.index_cast %add3A_183 : i32 to index
      %get3A_185 = tpu.vector_load %arg5[%get3A_184] {strides = array<i32>} : memref<8192xi32, #tpu.memory_space<vmem>>, vector<16xi32>,
      tpu.vector_store_idx %arg8[%get3A_185], %broadcast_in_dim3A_15 : memref<4096xf32, #tpu.memory_space<vmem>>[vector<16xi32>], vector<16xf32>,
      %mul3A_186 = arith.constant 128 : i32
      %mul3A_187 = arith.muli %sub3A_143, %mul3A_186 : i32
      %add3A_188 = arith.constant 112 : i32
      %add3A_189 = arith.addi %mul3A_187, %add3A_188 : i32
      %get3A_190 = arith.index_cast %add3A_189 : i32 to index
      %get3A_191 = tpu.vector_load %arg5[%get3A_190] {strides = array<i32>} : memref<8192xi32, #tpu.memory_space<vmem>>, vector<16xi32>,
      tpu.vector_store_idx %arg8[%get3A_191], %broadcast_in_dim3A_15 : memref<4096xf32, #tpu.memory_space<vmem>>[vector<16xi32>], vector<16xf32>,
      %mul3A_192 = arith.constant 128 : i32
      %mul3A_193 = arith.muli %add3A_132, %mul3A_192 : i32
      %add3A_194 = arith.constant 0 : i32
      %add3A_195 = arith.addi %mul3A_193, %add3A_194 : i32
      %get3A_196 = arith.index_cast %add3A_195 : i32 to index
      %get3A_197 = tpu.vector_load %arg5[%get3A_196] {strides = array<i32>} : memref<8192xi32, #tpu.memory_space<vmem>>, vector<16xi32>,
      %get3A_198 = arith.index_cast %add3A_195 : i32 to index
      %get3A_199 = tpu.vector_load %arg7[%get3A_198] {strides = array<i32>} : memref<8192xf32, #tpu.memory_space<vmem>>, vector<16xf32>,
      tpu.vector_store_idx %arg8[%get3A_197], %get3A_199 {add = true} : memref<4096xf32, #tpu.memory_space<vmem>>[vector<16xi32>], vector<16xf32>,
      %mul3A_200 = arith.constant 128 : i32
      %mul3A_201 = arith.muli %add3A_132, %mul3A_200 : i32
      %add3A_202 = arith.constant 16 : i32
      %add3A_203 = arith.addi %mul3A_201, %add3A_202 : i32
      %get3A_204 = arith.index_cast %add3A_203 : i32 to index
      %get3A_205 = tpu.vector_load %arg5[%get3A_204] {strides = array<i32>} : memref<8192xi32, #tpu.memory_space<vmem>>, vector<16xi32>,
      %get3A_206 = arith.index_cast %add3A_203 : i32 to index
      %get3A_207 = tpu.vector_load %arg7[%get3A_206] {strides = array<i32>} : memref<8192xf32, #tpu.memory_space<vmem>>, vector<16xf32>,
      tpu.vector_store_idx %arg8[%get3A_205], %get3A_207 {add = true} : memref<4096xf32, #tpu.memory_space<vmem>>[vector<16xi32>], vector<16xf32>,
      %mul3A_208 = arith.constant 128 : i32
      %mul3A_209 = arith.muli %add3A_132, %mul3A_208 : i32
      %add3A_210 = arith.constant 32 : i32
      %add3A_211 = arith.addi %mul3A_209, %add3A_210 : i32
      %get3A_212 = arith.index_cast %add3A_211 : i32 to index
      %get3A_213 = tpu.vector_load %arg5[%get3A_212] {strides = array<i32>} : memref<8192xi32, #tpu.memory_space<vmem>>, vector<16xi32>,
      %get3A_214 = arith.index_cast %add3A_211 : i32 to index
      %get3A_215 = tpu.vector_load %arg7[%get3A_214] {strides = array<i32>} : memref<8192xf32, #tpu.memory_space<vmem>>, vector<16xf32>,
      tpu.vector_store_idx %arg8[%get3A_213], %get3A_215 {add = true} : memref<4096xf32, #tpu.memory_space<vmem>>[vector<16xi32>], vector<16xf32>,
      %mul3A_216 = arith.constant 128 : i32
      %mul3A_217 = arith.muli %add3A_132, %mul3A_216 : i32
      %add3A_218 = arith.constant 48 : i32
      %add3A_219 = arith.addi %mul3A_217, %add3A_218 : i32
      %get3A_220 = arith.index_cast %add3A_219 : i32 to index
      %get3A_221 = tpu.vector_load %arg5[%get3A_220] {strides = array<i32>} : memref<8192xi32, #tpu.memory_space<vmem>>, vector<16xi32>,
      %get3A_222 = arith.index_cast %add3A_219 : i32 to index
      %get3A_223 = tpu.vector_load %arg7[%get3A_222] {strides = array<i32>} : memref<8192xf32, #tpu.memory_space<vmem>>, vector<16xf32>,
      tpu.vector_store_idx %arg8[%get3A_221], %get3A_223 {add = true} : memref<4096xf32, #tpu.memory_space<vmem>>[vector<16xi32>], vector<16xf32>,
      %mul3A_224 = arith.constant 128 : i32
      %mul3A_225 = arith.muli %add3A_132, %mul3A_224 : i32
      %add3A_226 = arith.constant 64 : i32
      %add3A_227 = arith.addi %mul3A_225, %add3A_226 : i32
      %get3A_228 = arith.index_cast %add3A_227 : i32 to index
      %get3A_229 = tpu.vector_load %arg5[%get3A_228] {strides = array<i32>} : memref<8192xi32, #tpu.memory_space<vmem>>, vector<16xi32>,
      %get3A_230 = arith.index_cast %add3A_227 : i32 to index
      %get3A_231 = tpu.vector_load %arg7[%get3A_230] {strides = array<i32>} : memref<8192xf32, #tpu.memory_space<vmem>>, vector<16xf32>,
      tpu.vector_store_idx %arg8[%get3A_229], %get3A_231 {add = true} : memref<4096xf32, #tpu.memory_space<vmem>>[vector<16xi32>], vector<16xf32>,
      %mul3A_232 = arith.constant 128 : i32
      %mul3A_233 = arith.muli %add3A_132, %mul3A_232 : i32
      %add3A_234 = arith.constant 80 : i32
      %add3A_235 = arith.addi %mul3A_233, %add3A_234 : i32
      %get3A_236 = arith.index_cast %add3A_235 : i32 to index
      %get3A_237 = tpu.vector_load %arg5[%get3A_236] {strides = array<i32>} : memref<8192xi32, #tpu.memory_space<vmem>>, vector<16xi32>,
      %get3A_238 = arith.index_cast %add3A_235 : i32 to index
      %get3A_239 = tpu.vector_load %arg7[%get3A_238] {strides = array<i32>} : memref<8192xf32, #tpu.memory_space<vmem>>, vector<16xf32>,
      tpu.vector_store_idx %arg8[%get3A_237], %get3A_239 {add = true} : memref<4096xf32, #tpu.memory_space<vmem>>[vector<16xi32>], vector<16xf32>,
      %mul3A_240 = arith.constant 128 : i32
      %mul3A_241 = arith.muli %add3A_132, %mul3A_240 : i32
      %add3A_242 = arith.constant 96 : i32
      %add3A_243 = arith.addi %mul3A_241, %add3A_242 : i32
      %get3A_244 = arith.index_cast %add3A_243 : i32 to index
      %get3A_245 = tpu.vector_load %arg5[%get3A_244] {strides = array<i32>} : memref<8192xi32, #tpu.memory_space<vmem>>, vector<16xi32>,
      %get3A_246 = arith.index_cast %add3A_243 : i32 to index
      %get3A_247 = tpu.vector_load %arg7[%get3A_246] {strides = array<i32>} : memref<8192xf32, #tpu.memory_space<vmem>>, vector<16xf32>,
      tpu.vector_store_idx %arg8[%get3A_245], %get3A_247 {add = true} : memref<4096xf32, #tpu.memory_space<vmem>>[vector<16xi32>], vector<16xf32>,
      %mul3A_248 = arith.constant 128 : i32
      %mul3A_249 = arith.muli %add3A_132, %mul3A_248 : i32
      %add3A_250 = arith.constant 112 : i32
      %add3A_251 = arith.addi %mul3A_249, %add3A_250 : i32
      %get3A_252 = arith.index_cast %add3A_251 : i32 to index
      %get3A_253 = tpu.vector_load %arg5[%get3A_252] {strides = array<i32>} : memref<8192xi32, #tpu.memory_space<vmem>>, vector<16xi32>,
      %get3A_254 = arith.index_cast %add3A_251 : i32 to index
      %get3A_255 = tpu.vector_load %arg7[%get3A_254] {strides = array<i32>} : memref<8192xf32, #tpu.memory_space<vmem>>, vector<16xf32>,
      tpu.vector_store_idx %arg8[%get3A_253], %get3A_255 {add = true} : memref<4096xf32, #tpu.memory_space<vmem>>[vector<16xi32>], vector<16xf32>,
      %add3A_256 = arith.addi %mul3A_6, %add3A_132 : i32
      %dma_start3A_257 = arith.constant 0 : i32
      %dma_start3A_258 = tpu.memref_slice %arg4[%add3A_256, %dma_start3A_257] : memref<2048x4096xf32, #tpu.memory_space<hbm>> -> memref<1x4096xf32, #tpu.memory_space<hbm>>
      %dma_start3A_259 = tpu.memref_squeeze %dma_start3A_258 : memref<1x4096xf32, #tpu.memory_space<hbm>> -> memref<4096xf32, #tpu.memory_space<hbm>>
      %dma_start3A_260 = arith.constant 0 : i32
      %dma_start3A_261 = tpu.memref_slice %arg4[%add3A_256, %dma_start3A_260] : memref<2048x4096xf32, #tpu.memory_space<hbm>> -> memref<1x4096xf32, #tpu.memory_space<hbm>>
      %dma_start3A_262 = tpu.memref_squeeze %dma_start3A_261 : memref<1x4096xf32, #tpu.memory_space<hbm>> -> memref<4096xf32, #tpu.memory_space<hbm>>
      tpu.enqueue_dma source(%arg8 : memref<4096xf32, #tpu.memory_space<vmem>>) target(%dma_start3A_262 : memref<4096xf32, #tpu.memory_space<hbm>>) target_semaphore(%arg10 : memref<!tpu.dma_semaphore, #tpu.memory_space<semaphore_mem>>)
      %add3A_263 = arith.constant 1 : i32
      %add3A_264 = arith.addi %add3A_130, %add3A_263 : i32
      %add3A_265 = arith.addi %mul3A_6, %add3A_264 : i32
      %sub3A_266 = arith.constant 2 : i32
      %sub3A_267 = arith.subi %add3A_265, %sub3A_266 : i32
      %dma_wait3A_268 = arith.constant 0 : i32
      %dma_wait3A_269 = tpu.memref_slice %arg4[%sub3A_267, %dma_wait3A_268] : memref<2048x4096xf32, #tpu.memory_space<hbm>> -> memref<1x4096xf32, #tpu.memory_space<hbm>>
      %dma_wait3A_270 = tpu.memref_squeeze %dma_wait3A_269 : memref<1x4096xf32, #tpu.memory_space<hbm>> -> memref<4096xf32, #tpu.memory_space<hbm>>
      %dma_wait3A_271 = arith.constant 0 : i32
      %dma_wait3A_272 = tpu.memref_slice %arg4[%sub3A_267, %dma_wait3A_271] : memref<2048x4096xf32, #tpu.memory_space<hbm>> -> memref<1x4096xf32, #tpu.memory_space<hbm>>
      %dma_wait3A_273 = tpu.memref_squeeze %dma_wait3A_272 : memref<1x4096xf32, #tpu.memory_space<hbm>> -> memref<4096xf32, #tpu.memory_space<hbm>>
      tpu.wait_dma2 semaphore(%arg11 : memref<!tpu.dma_semaphore, #tpu.memory_space<semaphore_mem>>) src(%arg9 : memref<4096xf32, #tpu.memory_space<vmem>>) dst(%dma_wait3A_273 : memref<4096xf32, #tpu.memory_space<hbm>>)
      %sub3A_274 = arith.constant 2 : i32
      %sub3A_275 = arith.subi %add3A_264, %sub3A_274 : i32
      %mul3A_276 = arith.constant 128 : i32
      %mul3A_277 = arith.muli %sub3A_275, %mul3A_276 : i32
      %add3A_278 = arith.constant 0 : i32
      %add3A_279 = arith.addi %mul3A_277, %add3A_278 : i32
      %get3A_280 = arith.index_cast %add3A_279 : i32 to index
      %get3A_281 = tpu.vector_load %arg5[%get3A_280] {strides = array<i32>} : memref<8192xi32, #tpu.memory_space<vmem>>, vector<16xi32>,
      tpu.vector_store_idx %arg9[%get3A_281], %broadcast_in_dim3A_15 : memref<4096xf32, #tpu.memory_space<vmem>>[vector<16xi32>], vector<16xf32>,
      %mul3A_282 = arith.constant 128 : i32
      %mul3A_283 = arith.muli %sub3A_275, %mul3A_282 : i32
      %add3A_284 = arith.constant 16 : i32
      %add3A_285 = arith.addi %mul3A_283, %add3A_284 : i32
      %get3A_286 = arith.index_cast %add3A_285 : i32 to index
      %get3A_287 = tpu.vector_load %arg5[%get3A_286] {strides = array<i32>} : memref<8192xi32, #tpu.memory_space<vmem>>, vector<16xi32>,
      tpu.vector_store_idx %arg9[%get3A_287], %broadcast_in_dim3A_15 : memref<4096xf32, #tpu.memory_space<vmem>>[vector<16xi32>], vector<16xf32>,
      %mul3A_288 = arith.constant 128 : i32
      %mul3A_289 = arith.muli %sub3A_275, %mul3A_288 : i32
      %add3A_290 = arith.constant 32 : i32
      %add3A_291 = arith.addi %mul3A_289, %add3A_290 : i32
      %get3A_292 = arith.index_cast %add3A_291 : i32 to index
      %get3A_293 = tpu.vector_load %arg5[%get3A_292] {strides = array<i32>} : memref<8192xi32, #tpu.memory_space<vmem>>, vector<16xi32>,
      tpu.vector_store_idx %arg9[%get3A_293], %broadcast_in_dim3A_15 : memref<4096xf32, #tpu.memory_space<vmem>>[vector<16xi32>], vector<16xf32>,
      %mul3A_294 = arith.constant 128 : i32
      %mul3A_295 = arith.muli %sub3A_275, %mul3A_294 : i32
      %add3A_296 = arith.constant 48 : i32
      %add3A_297 = arith.addi %mul3A_295, %add3A_296 : i32
      %get3A_298 = arith.index_cast %add3A_297 : i32 to index
      %get3A_299 = tpu.vector_load %arg5[%get3A_298] {strides = array<i32>} : memref<8192xi32, #tpu.memory_space<vmem>>, vector<16xi32>,
      tpu.vector_store_idx %arg9[%get3A_299], %broadcast_in_dim3A_15 : memref<4096xf32, #tpu.memory_space<vmem>>[vector<16xi32>], vector<16xf32>,
      %mul3A_300 = arith.constant 128 : i32
      %mul3A_301 = arith.muli %sub3A_275, %mul3A_300 : i32
      %add3A_302 = arith.constant 64 : i32
      %add3A_303 = arith.addi %mul3A_301, %add3A_302 : i32
      %get3A_304 = arith.index_cast %add3A_303 : i32 to index
      %get3A_305 = tpu.vector_load %arg5[%get3A_304] {strides = array<i32>} : memref<8192xi32, #tpu.memory_space<vmem>>, vector<16xi32>,
      tpu.vector_store_idx %arg9[%get3A_305], %broadcast_in_dim3A_15 : memref<4096xf32, #tpu.memory_space<vmem>>[vector<16xi32>], vector<16xf32>,
      %mul3A_306 = arith.constant 128 : i32
      %mul3A_307 = arith.muli %sub3A_275, %mul3A_306 : i32
      %add3A_308 = arith.constant 80 : i32
      %add3A_309 = arith.addi %mul3A_307, %add3A_308 : i32
      %get3A_310 = arith.index_cast %add3A_309 : i32 to index
      %get3A_311 = tpu.vector_load %arg5[%get3A_310] {strides = array<i32>} : memref<8192xi32, #tpu.memory_space<vmem>>, vector<16xi32>,
      tpu.vector_store_idx %arg9[%get3A_311], %broadcast_in_dim3A_15 : memref<4096xf32, #tpu.memory_space<vmem>>[vector<16xi32>], vector<16xf32>,
      %mul3A_312 = arith.constant 128 : i32
      %mul3A_313 = arith.muli %sub3A_275, %mul3A_312 : i32
      %add3A_314 = arith.constant 96 : i32
      %add3A_315 = arith.addi %mul3A_313, %add3A_314 : i32
      %get3A_316 = arith.index_cast %add3A_315 : i32 to index
      %get3A_317 = tpu.vector_load %arg5[%get3A_316] {strides = array<i32>} : memref<8192xi32, #tpu.memory_space<vmem>>, vector<16xi32>,
      tpu.vector_store_idx %arg9[%get3A_317], %broadcast_in_dim3A_15 : memref<4096xf32, #tpu.memory_space<vmem>>[vector<16xi32>], vector<16xf32>,
      %mul3A_318 = arith.constant 128 : i32
      %mul3A_319 = arith.muli %sub3A_275, %mul3A_318 : i32
      %add3A_320 = arith.constant 112 : i32
      %add3A_321 = arith.addi %mul3A_319, %add3A_320 : i32
      %get3A_322 = arith.index_cast %add3A_321 : i32 to index
      %get3A_323 = tpu.vector_load %arg5[%get3A_322] {strides = array<i32>} : memref<8192xi32, #tpu.memory_space<vmem>>, vector<16xi32>,
      tpu.vector_store_idx %arg9[%get3A_323], %broadcast_in_dim3A_15 : memref<4096xf32, #tpu.memory_space<vmem>>[vector<16xi32>], vector<16xf32>,
      %mul3A_324 = arith.constant 128 : i32
      %mul3A_325 = arith.muli %add3A_264, %mul3A_324 : i32
      %add3A_326 = arith.constant 0 : i32
      %add3A_327 = arith.addi %mul3A_325, %add3A_326 : i32
      %get3A_328 = arith.index_cast %add3A_327 : i32 to index
      %get3A_329 = tpu.vector_load %arg5[%get3A_328] {strides = array<i32>} : memref<8192xi32, #tpu.memory_space<vmem>>, vector<16xi32>,
      %get3A_330 = arith.index_cast %add3A_327 : i32 to index
      %get3A_331 = tpu.vector_load %arg7[%get3A_330] {strides = array<i32>} : memref<8192xf32, #tpu.memory_space<vmem>>, vector<16xf32>,
      tpu.vector_store_idx %arg9[%get3A_329], %get3A_331 {add = true} : memref<4096xf32, #tpu.memory_space<vmem>>[vector<16xi32>], vector<16xf32>,
      %mul3A_332 = arith.constant 128 : i32
      %mul3A_333 = arith.muli %add3A_264, %mul3A_332 : i32
      %add3A_334 = arith.constant 16 : i32
      %add3A_335 = arith.addi %mul3A_333, %add3A_334 : i32
      %get3A_336 = arith.index_cast %add3A_335 : i32 to index
      %get3A_337 = tpu.vector_load %arg5[%get3A_336] {strides = array<i32>} : memref<8192xi32, #tpu.memory_space<vmem>>, vector<16xi32>,
      %get3A_338 = arith.index_cast %add3A_335 : i32 to index
      %get3A_339 = tpu.vector_load %arg7[%get3A_338] {strides = array<i32>} : memref<8192xf32, #tpu.memory_space<vmem>>, vector<16xf32>,
      tpu.vector_store_idx %arg9[%get3A_337], %get3A_339 {add = true} : memref<4096xf32, #tpu.memory_space<vmem>>[vector<16xi32>], vector<16xf32>,
      %mul3A_340 = arith.constant 128 : i32
      %mul3A_341 = arith.muli %add3A_264, %mul3A_340 : i32
      %add3A_342 = arith.constant 32 : i32
      %add3A_343 = arith.addi %mul3A_341, %add3A_342 : i32
      %get3A_344 = arith.index_cast %add3A_343 : i32 to index
      %get3A_345 = tpu.vector_load %arg5[%get3A_344] {strides = array<i32>} : memref<8192xi32, #tpu.memory_space<vmem>>, vector<16xi32>,
      %get3A_346 = arith.index_cast %add3A_343 : i32 to index
      %get3A_347 = tpu.vector_load %arg7[%get3A_346] {strides = array<i32>} : memref<8192xf32, #tpu.memory_space<vmem>>, vector<16xf32>,
      tpu.vector_store_idx %arg9[%get3A_345], %get3A_347 {add = true} : memref<4096xf32, #tpu.memory_space<vmem>>[vector<16xi32>], vector<16xf32>,
      %mul3A_348 = arith.constant 128 : i32
      %mul3A_349 = arith.muli %add3A_264, %mul3A_348 : i32
      %add3A_350 = arith.constant 48 : i32
      %add3A_351 = arith.addi %mul3A_349, %add3A_350 : i32
      %get3A_352 = arith.index_cast %add3A_351 : i32 to index
      %get3A_353 = tpu.vector_load %arg5[%get3A_352] {strides = array<i32>} : memref<8192xi32, #tpu.memory_space<vmem>>, vector<16xi32>,
      %get3A_354 = arith.index_cast %add3A_351 : i32 to index
      %get3A_355 = tpu.vector_load %arg7[%get3A_354] {strides = array<i32>} : memref<8192xf32, #tpu.memory_space<vmem>>, vector<16xf32>,
      tpu.vector_store_idx %arg9[%get3A_353], %get3A_355 {add = true} : memref<4096xf32, #tpu.memory_space<vmem>>[vector<16xi32>], vector<16xf32>,
      %mul3A_356 = arith.constant 128 : i32
      %mul3A_357 = arith.muli %add3A_264, %mul3A_356 : i32
      %add3A_358 = arith.constant 64 : i32
      %add3A_359 = arith.addi %mul3A_357, %add3A_358 : i32
      %get3A_360 = arith.index_cast %add3A_359 : i32 to index
      %get3A_361 = tpu.vector_load %arg5[%get3A_360] {strides = array<i32>} : memref<8192xi32, #tpu.memory_space<vmem>>, vector<16xi32>,
      %get3A_362 = arith.index_cast %add3A_359 : i32 to index
      %get3A_363 = tpu.vector_load %arg7[%get3A_362] {strides = array<i32>} : memref<8192xf32, #tpu.memory_space<vmem>>, vector<16xf32>,
      tpu.vector_store_idx %arg9[%get3A_361], %get3A_363 {add = true} : memref<4096xf32, #tpu.memory_space<vmem>>[vector<16xi32>], vector<16xf32>,
      %mul3A_364 = arith.constant 128 : i32
      %mul3A_365 = arith.muli %add3A_264, %mul3A_364 : i32
      %add3A_366 = arith.constant 80 : i32
      %add3A_367 = arith.addi %mul3A_365, %add3A_366 : i32
      %get3A_368 = arith.index_cast %add3A_367 : i32 to index
      %get3A_369 = tpu.vector_load %arg5[%get3A_368] {strides = array<i32>} : memref<8192xi32, #tpu.memory_space<vmem>>, vector<16xi32>,
      %get3A_370 = arith.index_cast %add3A_367 : i32 to index
      %get3A_371 = tpu.vector_load %arg7[%get3A_370] {strides = array<i32>} : memref<8192xf32, #tpu.memory_space<vmem>>, vector<16xf32>,
      tpu.vector_store_idx %arg9[%get3A_369], %get3A_371 {add = true} : memref<4096xf32, #tpu.memory_space<vmem>>[vector<16xi32>], vector<16xf32>,
      %mul3A_372 = arith.constant 128 : i32
      %mul3A_373 = arith.muli %add3A_264, %mul3A_372 : i32
      %add3A_374 = arith.constant 96 : i32
      %add3A_375 = arith.addi %mul3A_373, %add3A_374 : i32
      %get3A_376 = arith.index_cast %add3A_375 : i32 to index
      %get3A_377 = tpu.vector_load %arg5[%get3A_376] {strides = array<i32>} : memref<8192xi32, #tpu.memory_space<vmem>>, vector<16xi32>,
      %get3A_378 = arith.index_cast %add3A_375 : i32 to index
      %get3A_379 = tpu.vector_load %arg7[%get3A_378] {strides = array<i32>} : memref<8192xf32, #tpu.memory_space<vmem>>, vector<16xf32>,
      tpu.vector_store_idx %arg9[%get3A_377], %get3A_379 {add = true} : memref<4096xf32, #tpu.memory_space<vmem>>[vector<16xi32>], vector<16xf32>,
      %mul3A_380 = arith.constant 128 : i32
      %mul3A_381 = arith.muli %add3A_264, %mul3A_380 : i32
      %add3A_382 = arith.constant 112 : i32
      %add3A_383 = arith.addi %mul3A_381, %add3A_382 : i32
      %get3A_384 = arith.index_cast %add3A_383 : i32 to index
      %get3A_385 = tpu.vector_load %arg5[%get3A_384] {strides = array<i32>} : memref<8192xi32, #tpu.memory_space<vmem>>, vector<16xi32>,
      %get3A_386 = arith.index_cast %add3A_383 : i32 to index
      %get3A_387 = tpu.vector_load %arg7[%get3A_386] {strides = array<i32>} : memref<8192xf32, #tpu.memory_space<vmem>>, vector<16xf32>,
      tpu.vector_store_idx %arg9[%get3A_385], %get3A_387 {add = true} : memref<4096xf32, #tpu.memory_space<vmem>>[vector<16xi32>], vector<16xf32>,
      %add3A_388 = arith.addi %mul3A_6, %add3A_264 : i32
      %dma_start3A_389 = arith.constant 0 : i32
      %dma_start3A_390 = tpu.memref_slice %arg4[%add3A_388, %dma_start3A_389] : memref<2048x4096xf32, #tpu.memory_space<hbm>> -> memref<1x4096xf32, #tpu.memory_space<hbm>>
      %dma_start3A_391 = tpu.memref_squeeze %dma_start3A_390 : memref<1x4096xf32, #tpu.memory_space<hbm>> -> memref<4096xf32, #tpu.memory_space<hbm>>
      %dma_start3A_392 = arith.constant 0 : i32
      %dma_start3A_393 = tpu.memref_slice %arg4[%add3A_388, %dma_start3A_392] : memref<2048x4096xf32, #tpu.memory_space<hbm>> -> memref<1x4096xf32, #tpu.memory_space<hbm>>
      %dma_start3A_394 = tpu.memref_squeeze %dma_start3A_393 : memref<1x4096xf32, #tpu.memory_space<hbm>> -> memref<4096xf32, #tpu.memory_space<hbm>>
      tpu.enqueue_dma source(%arg9 : memref<4096xf32, #tpu.memory_space<vmem>>) target(%dma_start3A_394 : memref<4096xf32, #tpu.memory_space<hbm>>) target_semaphore(%arg11 : memref<!tpu.dma_semaphore, #tpu.memory_space<semaphore_mem>>)
    }
    %scan3A_103 = arith.constant 31 : i32
    %add3A_104 = arith.constant 64 : i32
    %add3A_105 = arith.addi %mul3A_6, %add3A_104 : i32
    %sub3A = arith.constant 2 : i32
    %sub3A_106 = arith.subi %add3A_105, %sub3A : i32
    %add3A_107 = arith.constant 0 : i32
    %add3A_108 = arith.addi %sub3A_106, %add3A_107 : i32
    %dma_wait3A = arith.constant 0 : i32
    %dma_wait3A_109 = tpu.memref_slice %arg4[%add3A_108, %dma_wait3A] : memref<2048x4096xf32, #tpu.memory_space<hbm>> -> memref<1x4096xf32, #tpu.memory_space<hbm>>
    %dma_wait3A_110 = tpu.memref_squeeze %dma_wait3A_109 : memref<1x4096xf32, #tpu.memory_space<hbm>> -> memref<4096xf32, #tpu.memory_space<hbm>>
    %dma_wait3A_111 = arith.constant 0 : i32
    %dma_wait3A_112 = tpu.memref_slice %arg4[%add3A_108, %dma_wait3A_111] : memref<2048x4096xf32, #tpu.memory_space<hbm>> -> memref<1x4096xf32, #tpu.memory_space<hbm>>
    %dma_wait3A_113 = tpu.memref_squeeze %dma_wait3A_112 : memref<1x4096xf32, #tpu.memory_space<hbm>> -> memref<4096xf32, #tpu.memory_space<hbm>>
    tpu.wait_dma2 semaphore(%arg10 : memref<!tpu.dma_semaphore, #tpu.memory_space<semaphore_mem>>) src(%arg8 : memref<4096xf32, #tpu.memory_space<vmem>>) dst(%dma_wait3A_113 : memref<4096xf32, #tpu.memory_space<hbm>>)
    %add3A_114 = arith.constant 64 : i32
    %add3A_115 = arith.addi %mul3A_6, %add3A_114 : i32
    %sub3A_116 = arith.constant 2 : i32
    %sub3A_117 = arith.subi %add3A_115, %sub3A_116 : i32
    %add3A_118 = arith.constant 1 : i32
    %add3A_119 = arith.addi %sub3A_117, %add3A_118 : i32
    %dma_wait3A_120 = arith.constant 0 : i32
    %dma_wait3A_121 = tpu.memref_slice %arg4[%add3A_119, %dma_wait3A_120] : memref<2048x4096xf32, #tpu.memory_space<hbm>> -> memref<1x4096xf32, #tpu.memory_space<hbm>>
    %dma_wait3A_122 = tpu.memref_squeeze %dma_wait3A_121 : memref<1x4096xf32, #tpu.memory_space<hbm>> -> memref<4096xf32, #tpu.memory_space<hbm>>
    %dma_wait3A_123 = arith.constant 0 : i32
    %dma_wait3A_124 = tpu.memref_slice %arg4[%add3A_119, %dma_wait3A_123] : memref<2048x4096xf32, #tpu.memory_space<hbm>> -> memref<1x4096xf32, #tpu.memory_space<hbm>>
    %dma_wait3A_125 = tpu.memref_squeeze %dma_wait3A_124 : memref<1x4096xf32, #tpu.memory_space<hbm>> -> memref<4096xf32, #tpu.memory_space<hbm>>
    tpu.wait_dma2 semaphore(%arg11 : memref<!tpu.dma_semaphore, #tpu.memory_space<semaphore_mem>>) src(%arg9 : memref<4096xf32, #tpu.memory_space<vmem>>) dst(%dma_wait3A_125 : memref<4096xf32, #tpu.memory_space<hbm>>)
    return
  }
}

module attributes {stable_mosaic.version = 14 : i64} {
  func.func @body(%arg0: i32, %arg1: memref<128x4096xf32, #tpu.memory_space<vmem>>, %arg2: memref<512x4096xf32, #tpu.memory_space<vmem>>, %arg3: memref<1x512xf32, #tpu.memory_space<vmem>>, %arg4: memref<128x512xf32, #tpu.memory_space<vmem>>) attributes {dimension_semantics = [#tpu.dimension_semantics<arbitrary>], iteration_bounds = array<i64: 4>, scalar_prefetch = 0 : i64, scratch_operands = 0 : i64, tpu.core_type = #tpu.core_type<tc>, window_params = [{pipeline_mode = #tpu.pipeline_mode<synchronous>, transform_indices = @transform_0, window_bounds = array<i64: 128, 4096>}, {transform_indices = @transform_1, window_bounds = array<i64: 512, 4096>}, {transform_indices = @transform_2, window_bounds = array<i64: 1, 512>}, {transform_indices = @transform_3, window_bounds = array<i64: 128, 512>}]} {
    %get3A = arith.constant 0 : index
    %get3A_0 = arith.constant 0 : index
    %get3A_1 = vector.load %arg1[%get3A, %get3A_0] : memref<128x4096xf32, #tpu.memory_space<vmem>>, vector<128x4096xf32>
    %get3A_2 = arith.constant 0 : index
    %get3A_3 = arith.constant 0 : index
    %get3A_4 = vector.load %arg2[%get3A_2, %get3A_3] : memref<512x4096xf32, #tpu.memory_space<vmem>>, vector<512x4096xf32>
    %dot_general3A = arith.constant dense<0.000000e+00> : vector<128x512xf32>
    %dot_general3A_5 = tpu.matmul %get3A_1, %get3A_4, %dot_general3A {dimension_numbers = #tpu.dot_dimension_numbers<[1], [1], [0], [0], [0, 0, 1, 0], [], []>, transpose_lhs_hint = false} : vector<128x4096xf32>, vector<512x4096xf32>, vector<128x512xf32> -> vector<128x512xf32>
    %get3A_6 = arith.constant 0 : index
    %get3A_7 = arith.constant 0 : index
    %get3A_8 = vector.load %arg3[%get3A_6, %get3A_7] : memref<1x512xf32, #tpu.memory_space<vmem>>, vector<1x512xf32>
    %add3A = vector.broadcast %get3A_8 : vector<1x512xf32> to vector<128x512xf32>
    %add3A_9 = arith.addf %dot_general3A_5, %add3A : vector<128x512xf32>
    %swap3A = arith.constant 0 : index
    %swap3A_10 = arith.constant 0 : index
    %swap3A_11 = vector.load %arg4[%swap3A, %swap3A_10] : memref<128x512xf32, #tpu.memory_space<vmem>>, vector<128x512xf32>
    tpu.vector_store %arg4[%swap3A, %swap3A_10], %add3A_9 {strides = array<i32>} : memref<128x512xf32, #tpu.memory_space<vmem>>, vector<128x512xf32>,
    return
  }
  func.func @transform_0(%arg0: i32) -> (i32, i32) {
    %c0_i32 = arith.constant 0 : i32
    %c0_i32_0 = arith.constant 0 : i32
    %c0_i32_1 = arith.constant 0 : i32
    return %c0_i32, %c0_i32_0 : i32, i32
  }
  func.func @transform_1(%arg0: i32) -> (i32, i32) {
    %c0_i32 = arith.constant 0 : i32
    %c0_i32_0 = arith.constant 0 : i32
    return %arg0, %c0_i32 : i32, i32
  }
  func.func @transform_2(%arg0: i32) -> (i32, i32) {
    %c0_i32 = arith.constant 0 : i32
    %c0_i32_0 = arith.constant 0 : i32
    return %c0_i32, %arg0 : i32, i32
  }
  func.func @transform_3(%arg0: i32) -> (i32, i32) {
    %c0_i32 = arith.constant 0 : i32
    %c0_i32_0 = arith.constant 0 : i32
    return %c0_i32, %arg0 : i32, i32
  }
}

</mosaic_0001>

<sc_bundles>
// kernel: kernel.6.cloned.1.call-start
scs
__scs_entry_jumppad:
0x0: {  	(pc) =	sbr.rel $0x88, $3  }
0x1: {  	(tag) =	ssettag $0x0;
	lr =	simm.s32 $0x1  }
0x2: {  	[smem:$0x3F9D] =	sst lr;
	_ =	strace $0xD0000000  }
0x3: {  	_ = 	snop  }
0x4: {  	_ = 	snop  }
0x5: {  	_ = 	snop  }
0x6: {  	_ = 	snop  }
0x7: {  	_ = 	snop  }
__scs_overlays_trampoline_lowered:
0x8: {  	[smem:$0x3FAC] =	sst s0  }
0x9: {  	[smem:$0x3FAD] =	sst s1  }
0xa: {  	[smem:$0x3FAE] =	sst s2  }
0xb: {  	[smem:$0x3FAF] =	sst s3  }
0xc: {  	[smem:$0x3FB0] =	sst s4  }
0xd: {  	[smem:$0x3FB1] =	sst s5  }
0xe: {  	[smem:$0x3FB2] =	sst s6  }
0xf: {  	[smem:$0x3FB3] =	sst s7  }
0x10: {  	[smem:$0x3FB4] =	sst s8  }
0x11: {  	[smem:$0x3FB5] =	sst s9;
	s0 =	simm.s32 @!p0 $0x0  }
0x12: {  	s1 =	sld [smem:$0x3F9B];
	s0 =	simm.s32 @p0 $0x1  }
0x13: {  	[smem:$0x3FB6] =	sst s0;
	s0 =	simm.s32 @!p1 $0x0  }
0x14: {  	s2 =	sld [smem:$0x3F9A];
	s0 =	simm.s32 @p1 $0x1  }
0x15: {  	[smem:$0x3FB7] =	sst s0;
	s0 =	simm.s32 @!p2 $0x0  }
0x16: {  	s3 =	sld [smem:$0x3FDB];
	s0 =	simm.s32 @p2 $0x1  }
0x17: {  	s4 =	simm.s32 $0x1BF5;
	[smem:$0x3FB9] =	sst s0  }
0x18: {  	s0 =	sld [smem:$0x3F9C];
	_ =	swait.ge [sflag:s4], $0x0  }
0x19: {  	s7 =	sld [smem:$0x3F9D]  }
0x1a: {  	s8 =	sadd.s32 $0xFFFFE003, lr  }
0x1b: {  	s9 =	sadd.s32 $0xFFFFFEF7, lr;
	s5 =	simm.s32 $0xFFFFFFFF;
	p2 =	slt.u32 s8, $0xFFFFF086  }
0x1c: {  	p1 =	slt.u32 s9, $0xF7A;
	s5 =	simm.s32 @!p2 $0x0  }
0x1d: {  	s5 =	simm.s32 @p1 $0x1;
	p0 =	seq.s32 s7, s2  }
0x1e: {  	s7 =	smul.u32 @!p0 $0xF7A, s2;
	p2 =	seq.s32 @!p0 s5, $0x0  }
0x1f: {  	s9 =	smul.u32 $0xF7A, s1;
	s8 =	simm.s32 @!p0 $0x1BF5;
	p2 =	por !p2, p0  }
0x20: {  	[sflag:s8] =	ssyncset.s32 @!p0 $0xFFFFF086;
	s6 =	sadd.s32 @!p0 s3, s7;
	s7 =	simm.s32 @!p0 $0x108  }
0x21: {  	s3 =	sadd.s32 s3, s9;
	s6 =	sadd.s32 @!p0 $0x88, s6;
	s7 =	simm.s32 @p2 $0x1082  }
0x22: {  	[simem:s7], [sflag:s8] =	dma.local @!p0 [hbm:s6], $0xF7A  }
0x23: {  	s9 =	sor.u32 $0xD0000000, s2;
	s6 =	simm.s32 $0x108;
	_ =	swait.ge @!p0 [sflag:s8], $0x0  }
0x24: {  	s3 =	sadd.s32 $0x88, s3;
	s6 =	simm.s32 @!p1 $0x1082;
	[sflag:s4] =	ssyncset.s32 $0xFFFFF086  }
0x25: {  	[simem:s6], [sflag:s4] =	dma.local [hbm:s3], $0xF7A  }
0x26: {  	[smem:$0x3F9D] =	sst s1;
	(tag) =	ssettag s2;
	_ =	strace s9  }
0x27: {  	s1 =	sld [smem:$0x3FAD]  }
0x28: {  	s2 =	sld [smem:$0x3FAE]  }
0x29: {  	s4 =	sld [smem:$0x3FB0]  }
0x2a: {  	p0 =	seq.s32 s5, $0x0;
	s5 =	sld [smem:$0x3FB1]  }
0x2b: {  	s6 =	sld [smem:$0x3FB2]  }
0x2c: {  	s7 =	sld [smem:$0x3FB3]  }
0x2d: {  	s3 =	simm.s32 $0x108;
	s8 =	sld [smem:$0x3FB4]  }
0x2e: {  	s3 =	simm.s32 @!p0 $0x1082;
	s9 =	sld [smem:$0x3FB5]  }
0x2f: {  	lr =	sadd.s32 s0, s3;
	s0 =	sld [smem:$0x3FAC]  }
0x30: {  	s3 =	sld [smem:$0x3FAF]  }
0x31: {  	[smem:$0x3FB8] =	sst s10  }
0x32: {  	s10 =	sld [smem:$0x3FB6];
	_ =	sdelay $0x3  }
0x33: {  	p0 =	seq.s32 s10, $0x1;
	s10 =	sld [smem:$0x3FB8];
	_ =	sdelay $0x3  }
0x34: {  	[smem:$0x3FB8] =	sst s10  }
0x35: {  	s10 =	sld [smem:$0x3FB7];
	_ =	sdelay $0x3  }
0x36: {  	p1 =	seq.s32 s10, $0x1;
	s10 =	sld [smem:$0x3FB8];
	_ =	sdelay $0x3  }
0x37: {  	[smem:$0x3FB8] =	sst s10  }
0x38: {  	s10 =	sld [smem:$0x3FB9]  }
0x39: {  	_ = 	snop;
	(pc) =	sbr.ind lr, $3  }
0x3a: {  	_ = 	snop  }
0x3b: {  	_ = 	snop  }
0x3c: {  	p2 =	seq.s32 s10, $0x1;
	s10 =	sld [smem:$0x3FB8]  }
0x3d: {  	_ =	shalt  }
0x3e: {  	_ =	shalt  }
0x3f: {  	_ =	shalt  }
0x40: {  	_ =	shalt  }
0x41: {  	_ =	shalt  }
0x42: {  	_ =	shalt  }
0x43: {  	_ =	shalt  }
0x44: {  	_ =	shalt  }
0x45: {  	_ =	shalt  }
0x46: {  	_ =	shalt  }
0x47: {  	_ =	shalt  }
0x48: {  	_ =	shalt  }
0x49: {  	_ =	shalt  }
0x4a: {  	_ =	shalt  }
0x4b: {  	_ =	shalt  }
0x4c: {  	_ =	shalt  }
0x4d: {  	_ =	shalt  }
0x4e: {  	_ =	shalt  }
0x4f: {  	_ =	shalt  }
0x50: {  	_ =	shalt  }
0x51: {  	_ =	shalt  }
0x52: {  	_ =	shalt  }
0x53: {  	_ =	shalt  }
0x54: {  	_ =	shalt  }
0x55: {  	_ =	shalt  }
0x56: {  	_ =	shalt  }
0x57: {  	_ =	shalt  }
0x58: {  	_ =	shalt  }
0x59: {  	_ =	shalt  }
0x5a: {  	_ =	shalt  }
0x5b: {  	_ =	shalt  }
0x5c: {  	_ =	shalt  }
0x5d: {  	_ =	shalt  }
0x5e: {  	_ =	shalt  }
0x5f: {  	_ =	shalt  }
0x60: {  	_ =	shalt  }
0x61: {  	_ =	shalt  }
0x62: {  	_ =	shalt  }
0x63: {  	_ =	shalt  }
0x64: {  	_ =	shalt  }
0x65: {  	_ =	shalt  }
0x66: {  	_ =	shalt  }
0x67: {  	_ =	shalt  }
0x68: {  	_ =	shalt  }
0x69: {  	_ =	shalt  }
0x6a: {  	_ =	shalt  }
0x6b: {  	_ =	shalt  }
0x6c: {  	_ =	shalt  }
0x6d: {  	_ =	shalt  }
0x6e: {  	_ =	shalt  }
0x6f: {  	_ =	shalt  }
0x70: {  	_ =	shalt  }
0x71: {  	_ =	shalt  }
0x72: {  	_ =	shalt  }
0x73: {  	_ =	shalt  }
0x74: {  	_ =	shalt  }
0x75: {  	_ =	shalt  }
0x76: {  	_ =	shalt  }
0x77: {  	_ =	shalt  }
0x78: {  	_ =	shalt  }
0x79: {  	_ =	shalt  }
0x7a: {  	_ =	shalt  }
0x7b: {  	_ =	shalt  }
0x7c: {  	_ =	shalt  }
0x7d: {  	_ =	shalt  }
0x7e: {  	_ =	shalt  }
0x7f: {  	_ =	shalt  }
0x80: {  	_ =	shalt  }
0x81: {  	_ =	shalt  }
0x82: {  	_ =	shalt  }
0x83: {  	_ =	shalt  }
0x84: {  	_ =	shalt  }
0x85: {  	_ =	shalt  }
0x86: {  	_ =	shalt  }
0x87: {  	_ =	shalt  }
.Lfunc_end0:
.L_simem_size_0:
called_computation_lowered:
.L_overlay_start_0:
0x88: {  	s2 =	sld [smem:$0x3FD9]  }
0x89: {  	s3 =	sld [smem:$0x3FFE];
	_ =	sdelay $0x1  }
0x8a: {  	s1 =	srdreg.scid  }
0x8b: {  	s0 =	sand.u32 $0x1, s1  }
0x8c: {  	s17 =	sshll.u32 s0, $0xA;
	s2 =	sadd.s32 s3, s2  }
0x8d: {  	s2 =	sadd.s32 s2, s17  }
0x8e: {  	[smem:$0x3FC4] =	sst s2  }
0x8f: {  	_ = 	snop  }
0x90: {  	s18 =	sld [smem:$0x3FC6]  }
0x91: {  	s4 =	sld [smem:$0x3FD0];
	(tm) =	ssettm $0x1  }
0x92: {  	s19 =	sld [smem:$0x3FFB];
	_ =	sdelay $0x3  }
0x93: {  	_ =	strace s19  }
0x94: {  	s2 =	sld [smem:$0x3FFC];
	_ =	sdelay $0x3  }
0x95: {  	_ =	strace s2  }
0x96: {  	s2 =	sld [smem:$0x3FFD];
	_ =	sdelay $0x3  }
0x97: {  	_ =	strace s2  }
0x98: {  	_ =	strace $0x8FFFFFFF  }
0x99: {  	s20 =	sld [smem:$0x3FDB];
	_ =	sdelay $0x1  }
0x9a: {  	s5 =	simm.s32 $_scs_section_size  }
0x9b: {  	s6 =	simm.s32 $_size__tile_overlayer_lowered;
	s7 =	simm.s32 $_tile_overlayer_lowered  }
0x9c: {  	s8 =	simm.s32 $0x1BFF;
	s21 =	sshll.u32 s7, $0x1;
	s5 =	sadd.s32 s5, s20  }
0x9d: {  	s22 =	simm.s32 $0x0;
	s6 =	sshll.u32 s6, $0x1;
	s7 =	sadd.s32 s21, s5  }
0x9e: {  	[timem:s22], [sflag:s8] =	dma.local [hbm:s7], s6  }
0x9f: {  	_ =	swait.ge [sflag:s8], s6  }
0xa0: {  	s6 =	ssub.s32 $0x0, s6;
	[sflag:s8] =	ssyncset.done $0x0  }
0xa1: {  	[sflag:s8] =	ssyncadd.s32 s6;
	_ =	sdelay $0x1  }
0xa2: {  	s23 =	simm.s32 $0x1B8B  }
0xa3: {  	_ =	swait.ge [sflag:s23], $0x1  }
0xa4: {  	[sflag:s23] =	ssyncset.done $0x0  }
0xa5: {  	[sflag:s23] =	ssyncadd.s32 $0xFFFFFFFF  }
0xa6: {  	s6 =	sld [smem:$0x0]  }
0xa7: {  	s7 =	sand.u32 $0xFFFFFFFE, s1  }
0xa8: {  	p0 =	sne.s32 s1, s7  }
0xa9: {  	s7 =	sshll.u32 @p0 s7, $0xE  }
0xaa: {  	s7 =	sadd.s32 @p0 $0x11B8D, s7;
	s8 =	sshll.u32 @p0 s6, $0x11  }
0xab: {  	s7 =	sor.u32 @p0 s8, s7  }
0xac: {  	[sflag:s7] =	ssyncadd.remote.s32 @p0 $0x1;
	_ =	sdelay $0x1  }
0xad: {  	s7 =	simm.s32 @p0 $0x1B8D  }
0xae: {  	_ =	swait.eq @p0 [sflag:s7], $0x1  }
0xaf: {  	[sflag:s7] =	ssyncadd.s32 @p0 $0xFFFFFFFF  }
0xb0: {  	s8 =	sshll.u32 @!p0 s1, $0xE  }
0xb1: {  	s8 =	sor.u32 @!p0 $0x4000, s8;
	s7 =	simm.s32 @!p0 $0x1B8D  }
0xb2: {  	s6 =	sshll.u32 @!p0 s6, $0x11;
	s8 =	sadd.s32 @!p0 $0x11B8D, s8;
	_ =	swait.eq @!p0 [sflag:s7], $0x1  }
0xb3: {  	s6 =	sor.u32 @!p0 s6, s8;
	[sflag:s7] =	ssyncadd.s32 @!p0 $0xFFFFFFFF  }
0xb4: {  	s25 =	simm.s32 $0x1B8E;
	s24 =	sld [smem:$0x3FFE];
	[sflag:s6] =	ssyncadd.remote.s32 @!p0 $0x1  }
0xb5: {  	s26 =	simm.s32 $execute0_lowered;
	[smem:$0x3FD2] =	sst s25  }
0xb6: {  	s7 =	sshll.u32 s26, $0x1;
	_ =	strace $0x80000049;
	[dreg:$0x1] =	wrdreg $0xFFFFFFFF  }
0xb7: {  	s28 =	simm.s32 $_size_execute0_lowered;
	s5 =	sadd.s32 s5, s7;
	[dreg:$0x0] =	wrdreg $0x0  }
0xb8: {  	s7 =	sshll.u32 s28, $0x1;
	[dreg:$0x2] =	wrdreg s5  }
0xb9: {  	[dreg:$0x3] =	wrdreg s7  }
0xba: {  	[dreg:$0x4] =	wrdreg $0xC0  }
0xbb: {  	_ =	task [dreg:s22], $0x5FFFF  }
0xbc: {  	[dreg:$0x1] =	wrdreg $0xFFFFFFFF  }
0xbd: {  	[dreg:$0x0] =	wrdreg $0x60  }
0xbe: {  	[dreg:$0x2] =	wrdreg s18  }
0xbf: {  	[dreg:$0x3] =	wrdreg s4  }
0xc0: {  	[dreg:$0x4] =	wrdreg s24  }
0xc1: {  	[dreg:$0x5] =	wrdreg $0x9  }
0xc2: {  	_ =	task.clear_ibuf [dreg:s22], $0x6FFFF;
	_ =	strace $0x90000049  }
0xc3: {  	s29 =	simm.s32 $0x9;
	_ =	strace $0x8000004B  }
0xc4: {  	_ =	swait.ge [sflag:s29], $0x1  }
0xc5: {  	[sflag:s29] =	ssyncadd.s32 $0xFFFFFFFF  }
0xc6: {  	_ =	strace $0x9000004B  }
0xc7: {  	_ =	sfence  }
0xc8: {  	s30 =	sld [smem:$0x0];
	_ =	sdelay $0x2  }
0xc9: {  	s31 =	sshll.u32 s1, $0xD;
	s1 =	sshrl.u32 s1, $0x2  }
0xca: {  	s4 =	sand.u32 $0x4000, s31;
	s1 =	sadd.s32 s1, s30  }
0xcb: {  	s0 =	sor.u32 s4, s0;
	s1 =	sshll.u32 s1, $0x11  }
0xcc: {  	s0 =	sor.u32 s1, s0  }
0xcd: {  	s0 =	sadd.s32 $0x8F2B, s0  }
0xce: {  	[sflag:s0] =	ssyncadd.remote.s32 $0x1  }
0xcf: {  	_ =	sfence.sel $0xFFFF  }
0xd0: {  	[dreg:$0x0] =	wrdreg $0xFFFFFFFF;
	(pc) =	sbr.abs _section_cstart, $3  }
0xd1: {  	[dreg:$0x1] =	wrdreg $0xFFFFFFFF  }
0xd2: {  	_ =	task.clear_ibuf [dreg:s22], $0x2FFFF;
	_ =	strace $0x9FFFFFFF  }
0xd3: {  	(tm) =	ssettm $0x7FFFFFFF  }
tec
execute0_lowered:
.L_overlay_start_1:
0x0: {  	(tag) =	ssettag $0x1  }
0x1: {  	s4 =	rddreg [dreg:$0x0]  }
0x2: {  	s5 =	rddreg [dreg:$0x1]  }
0x3: {  	s3 =	rddreg [dreg:$0x2]  }
0x4: {  	s0 =	rddreg [dreg:$0x3];
	s2 =	simm.s32 $0x0;
	s6 =	srdreg.scid  }
0x5: {  	s1 =	stileid.u32;
	s12 =	simm.s32 $0x4100;
	s13 =	simm.s32 $0x80  }
0x6: {  	s14 =	simm.s32 $0x400;
	s15 =	simm.s32 $0x5100;
	s16 =	simm.s32 $0x1  }
0x7: {  	s17 =	simm.s32 $0x2;
	s18 =	simm.s32 $0x0;
	[smem:$0x7FF] =	sst s2  }
0x8: {  	s7 =	sand.u32 $0x1, s6;
	s8 =	sshll.u32 s1, $0x1;
	s3 =	sadd.s32 $0x100E00, s3  }
0x9: {  	s31 =	sshll.u32 s1, $0x10;
	_ =	strace $0x8000004A;
	s6 =	ssub.s32 $0x2, s7  }
0xa: {  	s8 =	sor.u32 s7, s8;
	s11 =	sshll.u32 s7, $0xF;
	s9 =	sshrl.u32 s6, $0x1  }
0xb: {  	s29 =	sshll.u32 s8, $0xA;
	s10 =	sshll.u32 s8, $0x5;
	s30 =	sshll.u32 s8, $0xF  }
0xc: {  	s9 =	ssub.s32 s6, s9;
	s4 =	sadd.s32 s4, s29;
	s6 =	sadd.s32 s3, s30  }
0xd: {  	s5 =	sadd.s32 s5, s10;
	s10 =	simm.s32 $0x3;
	s7 =	sadd.s32 $0x10, s6  }
0xe: {  	v0 =	vimm.f32 $0.0e+00;
	s8 =	smax.u32 s9, $0x1;
	s9 =	sor.u32 s11, s31;
	s11 =	simm.s32 $0x2000  }
.LBB2_1:
0xf: {  	[tilespmem:s2], [sflag:$0x3] =	stream.linear.gather [hbm4b:s4+s2], $0x2000, $0x38;
	[tilespmem:$0x6100] =	vst v63  }
0x10: {  	_ =	swait.ge [sflag:s10], $0x2000  }
0x11: {  	[sflag:s10] =	ssyncset.done $0x0  }
0x12: {  	v1 =	vmov s2;
	[sflag:s10] =	ssyncadd.s32 $0xFFFFE000  }
0x13: {  	[tilespmem:s11], [sflag:$0x3] =	stream.linear.gather [hbm4b:s5+s2], $0x100, $0x38;
	[tilespmem:$0x6100] =	vst v63  }
0x14: {  	_ =	swait.ge [sflag:s10], $0x100  }
0x15: {  	[sflag:s10] =	ssyncset.done $0x0  }
0x16: {  	[sflag:s10] =	ssyncadd.s32 $0xFFFFFF00  }
0x17: {  	v1 =	vld.idx.msk [tilespmem:v1+s11+$0x0], $0xffff  }
0x18: {  	s19 =	simm.s32 $0x1  }
0x19: {  	v2 =	vmov s19;
	_ =	sdelay $0x1  }
0x1a: {  	s19 =	simm.s32 $0x2110  }
0x1b: {  	[tilespmem:s19+$0xFFFFFFF0] =	vst v1  }
0x1c: {  	[tilespmem:s19+$0x0] =	vst v1  }
0x1d: {  	v1 =	vld.idx.msk [tilespmem:v2+s11+$0x0], $0xffff  }
0x1e: {  	s20 =	simm.s32 $0x2  }
0x1f: {  	v2 =	vmov s20;
	s20 =	simm.s32 $0x3  }
.LBB2_2:
0x20: {  	p0 =	sne.s32 s20, $0xFF  }
0x21: {  	s19 =	sadd.s32 $0x20, s19  }
0x22: {  	[tilespmem:s19+$0xFFFFFFF0] =	vst v1  }
.Ltmp0:
0x23: {  	[tilespmem:s19+$0x0] =	vst v1;
	(pc) =	sbr.rel @p0 .LBB2_2-.Ltmp0, $2  }
0x24: {  	v1 =	vld.idx.msk [tilespmem:v2+s11+$0x0], $0xffff;
	_ =	sdelay $0x2  }
0x25: {  	v2 =	vmov s20;
	s20 =	sadd.s32 $0x1, s20  }
0x26: {  	_ = 	snop  }
0x27: {  	s19 =	sadd.s32 $0x20, s19  }
0x28: {  	[tilespmem:s19+$0xFFFFFFF0] =	vst v1  }
0x29: {  	[tilespmem:s19+$0x0] =	vst v1  }
0x2a: {  	v1 =	vld.idx.msk [tilespmem:v2+s11+$0x0], $0xffff;
	_ =	sdelay $0x3  }
0x2b: {  	s19 =	sadd.s32 $0x20, s19  }
0x2c: {  	[tilespmem:s19+$0xFFFFFFF0] =	vst v1  }
0x2d: {  	s20 =	simm.s32 $0x0;
	[tilespmem:s19+$0x0] =	vst v1;
	s19 =	simm.s32 $0x40  }
.LBB2_4:
0x2e: {  	p0 =	sne.s32 s19, $0x3FC0;
	[tilespmem:s20+$0x4100] =	vst v0;
	s21 =	smov.u32 s19;
	s19 =	sadd.s32 $0x40, s19  }
.Ltmp1:
0x2f: {  	[tilespmem:s20+$0x5100] =	vst v0;
	(pc) =	sbr.rel @p0 .LBB2_4-.Ltmp1, $2  }
0x30: {  	_ =	sdelay $0x2  }
0x31: {  	s20 =	sshra.s32 s21, $0x2  }
0x32: {  	[tilespmem:s20+$0x4100] =	vst v0  }
0x33: {  	[tilespmem:s20+$0x5100] =	vst v0  }
0x34: {  	v1 =	vld [tilespmem:$0x0];
	_ =	sdelay $0x2  }
0x35: {  	v2 =	vld [tilespmem:$0x2100];
	_ =	sdelay $0x4  }
0x36: {  	[tilespmem:v1+s12+$0x0] =	vst.idx.add.f32.msk $0xffff, v2  }
0x37: {  	v1 =	vld [tilespmem:$0x10];
	_ =	sdelay $0x2  }
0x38: {  	v2 =	vld [tilespmem:$0x2110];
	_ =	sdelay $0x4  }
0x39: {  	[tilespmem:v1+s12+$0x0] =	vst.idx.add.f32.msk $0xffff, v2  }
0x3a: {  	v1 =	vld [tilespmem:$0x20];
	_ =	sdelay $0x2  }
0x3b: {  	v2 =	vld [tilespmem:$0x2120];
	_ =	sdelay $0x4  }
0x3c: {  	[tilespmem:v1+s12+$0x0] =	vst.idx.add.f32.msk $0xffff, v2  }
0x3d: {  	v1 =	vld [tilespmem:$0x30];
	_ =	sdelay $0x2  }
0x3e: {  	v2 =	vld [tilespmem:$0x2130];
	_ =	sdelay $0x4  }
0x3f: {  	[tilespmem:v1+s12+$0x0] =	vst.idx.add.f32.msk $0xffff, v2  }
0x40: {  	v1 =	vld [tilespmem:$0x40];
	_ =	sdelay $0x2  }
0x41: {  	v2 =	vld [tilespmem:$0x2140];
	_ =	sdelay $0x4  }
0x42: {  	[tilespmem:v1+s12+$0x0] =	vst.idx.add.f32.msk $0xffff, v2  }
0x43: {  	v1 =	vld [tilespmem:$0x50];
	_ =	sdelay $0x2  }
0x44: {  	v2 =	vld [tilespmem:$0x2150];
	_ =	sdelay $0x4  }
0x45: {  	[tilespmem:v1+s12+$0x0] =	vst.idx.add.f32.msk $0xffff, v2  }
0x46: {  	v1 =	vld [tilespmem:$0x60];
	_ =	sdelay $0x2  }
0x47: {  	v2 =	vld [tilespmem:$0x2160];
	_ =	sdelay $0x4  }
0x48: {  	[tilespmem:v1+s12+$0x0] =	vst.idx.add.f32.msk $0xffff, v2  }
0x49: {  	v1 =	vld [tilespmem:$0x70];
	_ =	sdelay $0x2  }
0x4a: {  	v2 =	vld [tilespmem:$0x2170];
	_ =	sdelay $0x4  }
0x4b: {  	[tilespmem:v1+s12+$0x0] =	vst.idx.add.f32.msk $0xffff, v2  }
0x4c: {  	[hbm4b:s6+s13] =	stream.strided.scatter [tilespmem:s12], [sflag:$0x1], $0x1000, s14, s13, $0x38;
	[tilespmem:$0x6100] =	vst v63  }
0x4d: {  	v1 =	vld [tilespmem:$0x80];
	_ =	sdelay $0x2  }
0x4e: {  	v2 =	vld [tilespmem:$0x2180];
	_ =	sdelay $0x4  }
0x4f: {  	[tilespmem:v1+s15+$0x0] =	vst.idx.add.f32.msk $0xffff, v2  }
0x50: {  	v1 =	vld [tilespmem:$0x90];
	_ =	sdelay $0x2  }
0x51: {  	v2 =	vld [tilespmem:$0x2190];
	_ =	sdelay $0x4  }
0x52: {  	[tilespmem:v1+s15+$0x0] =	vst.idx.add.f32.msk $0xffff, v2  }
0x53: {  	v1 =	vld [tilespmem:$0xA0];
	_ =	sdelay $0x2  }
0x54: {  	v2 =	vld [tilespmem:$0x21A0];
	_ =	sdelay $0x4  }
0x55: {  	[tilespmem:v1+s15+$0x0] =	vst.idx.add.f32.msk $0xffff, v2  }
0x56: {  	v1 =	vld [tilespmem:$0xB0];
	_ =	sdelay $0x2  }
0x57: {  	v2 =	vld [tilespmem:$0x21B0];
	_ =	sdelay $0x4  }
0x58: {  	[tilespmem:v1+s15+$0x0] =	vst.idx.add.f32.msk $0xffff, v2  }
0x59: {  	v1 =	vld [tilespmem:$0xC0];
	_ =	sdelay $0x2  }
0x5a: {  	v2 =	vld [tilespmem:$0x21C0];
	_ =	sdelay $0x4  }
0x5b: {  	[tilespmem:v1+s15+$0x0] =	vst.idx.add.f32.msk $0xffff, v2  }
0x5c: {  	v1 =	vld [tilespmem:$0xD0];
	_ =	sdelay $0x2  }
0x5d: {  	v2 =	vld [tilespmem:$0x21D0];
	_ =	sdelay $0x4  }
0x5e: {  	[tilespmem:v1+s15+$0x0] =	vst.idx.add.f32.msk $0xffff, v2  }
0x5f: {  	v1 =	vld [tilespmem:$0xE0];
	_ =	sdelay $0x2  }
0x60: {  	v2 =	vld [tilespmem:$0x21E0];
	_ =	sdelay $0x4  }
0x61: {  	[tilespmem:v1+s15+$0x0] =	vst.idx.add.f32.msk $0xffff, v2  }
0x62: {  	v1 =	vld [tilespmem:$0xF0];
	_ =	sdelay $0x2  }
0x63: {  	v2 =	vld [tilespmem:$0x21F0];
	_ =	sdelay $0x4  }
0x64: {  	s19 =	simm.s32 $0x0;
	s20 =	simm.s32 $0x30;
	[tilespmem:v1+s15+$0x0] =	vst.idx.add.f32.msk $0xffff, v2  }
0x65: {  	[hbm4b:s7+s13] =	stream.strided.scatter [tilespmem:s15], [sflag:$0x2], $0x1000, s14, s13, $0x38;
	[tilespmem:$0x6100] =	vst v63  }
.LBB2_6:
0x66: {  	_ =	swait.ge [sflag:s16], $0x1000  }
0x67: {  	[sflag:s16] =	ssyncset.done $0x0  }
0x68: {  	s21 =	sshra.s32 s19, $0x2;
	[sflag:s16] =	ssyncadd.s32 $0xFFFFF000  }
0x69: {  	v1 =	vld [tilespmem:s21+$0x0];
	_ =	sdelay $0x7  }
0x6a: {  	[tilespmem:v1+s12+$0x0] =	vst.idx.msk $0xffff, v0  }
0x6b: {  	v1 =	vld [tilespmem:s21+$0x10];
	_ =	sdelay $0x7  }
0x6c: {  	[tilespmem:v1+s12+$0x0] =	vst.idx.msk $0xffff, v0  }
0x6d: {  	v1 =	vld [tilespmem:s21+$0x20];
	_ =	sdelay $0x7  }
0x6e: {  	[tilespmem:v1+s12+$0x0] =	vst.idx.msk $0xffff, v0  }
0x6f: {  	v1 =	vld [tilespmem:s21+$0x30];
	_ =	sdelay $0x7  }
0x70: {  	[tilespmem:v1+s12+$0x0] =	vst.idx.msk $0xffff, v0  }
0x71: {  	v1 =	vld [tilespmem:s21+$0x40];
	_ =	sdelay $0x7  }
0x72: {  	[tilespmem:v1+s12+$0x0] =	vst.idx.msk $0xffff, v0  }
0x73: {  	v1 =	vld [tilespmem:s21+$0x50];
	_ =	sdelay $0x7  }
0x74: {  	[tilespmem:v1+s12+$0x0] =	vst.idx.msk $0xffff, v0  }
0x75: {  	v1 =	vld [tilespmem:s21+$0x60];
	_ =	sdelay $0x7  }
0x76: {  	[tilespmem:v1+s12+$0x0] =	vst.idx.msk $0xffff, v0  }
0x77: {  	v1 =	vld [tilespmem:s21+$0x70];
	_ =	sdelay $0x7  }
0x78: {  	[tilespmem:v1+s12+$0x0] =	vst.idx.msk $0xffff, v0  }
0x79: {  	v1 =	vld [tilespmem:s21+$0x100];
	_ =	sdelay $0x2  }
0x7a: {  	v2 =	vld [tilespmem:s21+$0x2200];
	_ =	sdelay $0x4  }
0x7b: {  	[tilespmem:v1+s12+$0x0] =	vst.idx.add.f32.msk $0xffff, v2  }
0x7c: {  	v1 =	vld [tilespmem:s21+$0x110];
	_ =	sdelay $0x2  }
0x7d: {  	v2 =	vld [tilespmem:s21+$0x2210];
	_ =	sdelay $0x4  }
0x7e: {  	[tilespmem:v1+s12+$0x0] =	vst.idx.add.f32.msk $0xffff, v2  }
0x7f: {  	v1 =	vld [tilespmem:s21+$0x120];
	_ =	sdelay $0x2  }
0x80: {  	v2 =	vld [tilespmem:s21+$0x2220];
	_ =	sdelay $0x4  }
0x81: {  	[tilespmem:v1+s12+$0x0] =	vst.idx.add.f32.msk $0xffff, v2  }
0x82: {  	v1 =	vld [tilespmem:s21+$0x130];
	_ =	sdelay $0x2  }
0x83: {  	v2 =	vld [tilespmem:s21+$0x2230];
	_ =	sdelay $0x4  }
0x84: {  	[tilespmem:v1+s12+$0x0] =	vst.idx.add.f32.msk $0xffff, v2  }
0x85: {  	v1 =	vld [tilespmem:s21+$0x140];
	_ =	sdelay $0x2  }
0x86: {  	v2 =	vld [tilespmem:s21+$0x2240];
	_ =	sdelay $0x4  }
0x87: {  	[tilespmem:v1+s12+$0x0] =	vst.idx.add.f32.msk $0xffff, v2  }
0x88: {  	v1 =	vld [tilespmem:s21+$0x150];
	_ =	sdelay $0x2  }
0x89: {  	v2 =	vld [tilespmem:s21+$0x2250];
	_ =	sdelay $0x4  }
0x8a: {  	[tilespmem:v1+s12+$0x0] =	vst.idx.add.f32.msk $0xffff, v2  }
0x8b: {  	v1 =	vld [tilespmem:s21+$0x160];
	_ =	sdelay $0x2  }
0x8c: {  	v2 =	vld [tilespmem:s21+$0x2260];
	_ =	sdelay $0x4  }
0x8d: {  	[tilespmem:v1+s12+$0x0] =	vst.idx.add.f32.msk $0xffff, v2  }
0x8e: {  	v1 =	vld [tilespmem:s21+$0x170];
	_ =	sdelay $0x2  }
0x8f: {  	v2 =	vld [tilespmem:s21+$0x2270];
	_ =	sdelay $0x1  }
0x90: {  	s22 =	sadd.s32 s19, s9;
	s23 =	sadd.s32 $0xFFFFFFF0, s20  }
0x91: {  	s24 =	sadd.s32 $0x400, s22;
	s23 =	sand.u32 $0x60, s23  }
0x92: {  	s24 =	sand.u32 $0xFFFF000, s24;
	s23 =	sadd.s32 s3, s23  }
0x93: {  	s23 =	sadd.s32 s24, s23;
	[tilespmem:v1+s12+$0x0] =	vst.idx.add.f32.msk $0xffff, v2  }
0x94: {  	[hbm4b:s23+s13] =	stream.strided.scatter [tilespmem:s12], [sflag:$0x1], $0x1000, s14, s13, $0x38;
	[tilespmem:$0x6100] =	vst v63  }
0x95: {  	_ =	swait.ge [sflag:s17], $0x1000  }
0x96: {  	[sflag:s17] =	ssyncset.done $0x0  }
0x97: {  	[sflag:s17] =	ssyncadd.s32 $0xFFFFF000  }
0x98: {  	v1 =	vld [tilespmem:s21+$0x80];
	_ =	sdelay $0x7  }
0x99: {  	[tilespmem:v1+s15+$0x0] =	vst.idx.msk $0xffff, v0  }
0x9a: {  	v1 =	vld [tilespmem:s21+$0x90];
	_ =	sdelay $0x7  }
0x9b: {  	[tilespmem:v1+s15+$0x0] =	vst.idx.msk $0xffff, v0  }
0x9c: {  	v1 =	vld [tilespmem:s21+$0xA0];
	_ =	sdelay $0x7  }
0x9d: {  	[tilespmem:v1+s15+$0x0] =	vst.idx.msk $0xffff, v0  }
0x9e: {  	v1 =	vld [tilespmem:s21+$0xB0];
	_ =	sdelay $0x7  }
0x9f: {  	[tilespmem:v1+s15+$0x0] =	vst.idx.msk $0xffff, v0  }
0xa0: {  	v1 =	vld [tilespmem:s21+$0xC0];
	_ =	sdelay $0x7  }
0xa1: {  	[tilespmem:v1+s15+$0x0] =	vst.idx.msk $0xffff, v0  }
0xa2: {  	v1 =	vld [tilespmem:s21+$0xD0];
	_ =	sdelay $0x7  }
0xa3: {  	[tilespmem:v1+s15+$0x0] =	vst.idx.msk $0xffff, v0  }
0xa4: {  	v1 =	vld [tilespmem:s21+$0xE0];
	_ =	sdelay $0x7  }
0xa5: {  	[tilespmem:v1+s15+$0x0] =	vst.idx.msk $0xffff, v0  }
0xa6: {  	v1 =	vld [tilespmem:s21+$0xF0];
	_ =	sdelay $0x7  }
0xa7: {  	[tilespmem:v1+s15+$0x0] =	vst.idx.msk $0xffff, v0  }
0xa8: {  	v1 =	vld [tilespmem:s21+$0x180];
	_ =	sdelay $0x2  }
0xa9: {  	v2 =	vld [tilespmem:s21+$0x2280];
	_ =	sdelay $0x4  }
0xaa: {  	[tilespmem:v1+s15+$0x0] =	vst.idx.add.f32.msk $0xffff, v2  }
0xab: {  	v1 =	vld [tilespmem:s21+$0x190];
	_ =	sdelay $0x2  }
0xac: {  	v2 =	vld [tilespmem:s21+$0x2290];
	_ =	sdelay $0x4  }
0xad: {  	[tilespmem:v1+s15+$0x0] =	vst.idx.add.f32.msk $0xffff, v2  }
0xae: {  	v1 =	vld [tilespmem:s21+$0x1A0];
	_ =	sdelay $0x2  }
0xaf: {  	v2 =	vld [tilespmem:s21+$0x22A0];
	_ =	sdelay $0x4  }
0xb0: {  	[tilespmem:v1+s15+$0x0] =	vst.idx.add.f32.msk $0xffff, v2  }
0xb1: {  	v1 =	vld [tilespmem:s21+$0x1B0];
	_ =	sdelay $0x2  }
0xb2: {  	v2 =	vld [tilespmem:s21+$0x22B0];
	_ =	sdelay $0x4  }
0xb3: {  	[tilespmem:v1+s15+$0x0] =	vst.idx.add.f32.msk $0xffff, v2  }
0xb4: {  	v1 =	vld [tilespmem:s21+$0x1C0];
	_ =	sdelay $0x2  }
0xb5: {  	v2 =	vld [tilespmem:s21+$0x22C0];
	_ =	sdelay $0x4  }
0xb6: {  	[tilespmem:v1+s15+$0x0] =	vst.idx.add.f32.msk $0xffff, v2  }
0xb7: {  	v1 =	vld [tilespmem:s21+$0x1D0];
	_ =	sdelay $0x2  }
0xb8: {  	v2 =	vld [tilespmem:s21+$0x22D0];
	_ =	sdelay $0x4  }
0xb9: {  	[tilespmem:v1+s15+$0x0] =	vst.idx.add.f32.msk $0xffff, v2  }
0xba: {  	v1 =	vld [tilespmem:s21+$0x1E0];
	_ =	sdelay $0x2  }
0xbb: {  	v2 =	vld [tilespmem:s21+$0x22E0];
	_ =	sdelay $0x4  }
0xbc: {  	[tilespmem:v1+s15+$0x0] =	vst.idx.add.f32.msk $0xffff, v2  }
0xbd: {  	v1 =	vld [tilespmem:s21+$0x1F0];
	_ =	sdelay $0x2  }
0xbe: {  	v2 =	vld [tilespmem:s21+$0x22F0]  }
0xbf: {  	p0 =	sne.s32 s19, $0x7800  }
.Ltmp2:
0xc0: {  	_ = 	snop;
	(pc) =	sbr.rel @p0 .LBB2_6-.Ltmp2, $4  }
0xc1: {  	s31 =	sand.u32 $0x70, s20;
	s30 =	sadd.s32 $0x600, s22  }
0xc2: {  	s22 =	sadd.s32 s3, s31;
	s21 =	sand.u32 $0xFFFF000, s30  }
0xc3: {  	s20 =	sadd.s32 $0x20, s20;
	s19 =	sadd.s32 $0x400, s19;
	s21 =	sadd.s32 s21, s22;
	[tilespmem:v1+s15+$0x0] =	vst.idx.add.f32.msk $0xffff, v2  }
0xc4: {  	[hbm4b:s21+s13] =	stream.strided.scatter [tilespmem:s15], [sflag:$0x2], $0x1000, s14, s13, $0x38;
	[tilespmem:$0x6100] =	vst v63  }
0xc5: {  	s18 =	sadd.s32 $0x1, s18  }
0xc6: {  	_ =	swait.ge [sflag:s16], $0x1000;
	p0 =	sne.s32 s18, s8  }
.Ltmp3:
0xc7: {  	[sflag:s16] =	ssyncset.done $0x0;
	(pc) =	sbr.rel @p0 .LBB2_1-.Ltmp3, $4  }
0xc8: {  	[sflag:s16] =	ssyncadd.s32 $0xFFFFF000  }
0xc9: {  	_ =	swait.ge [sflag:s17], $0x1000  }
0xca: {  	[sflag:s17] =	ssyncset.done $0x0  }
0xcb: {  	[sflag:s17] =	ssyncadd.s32 $0xFFFFF000  }
0xcc: {  	_ =	sfence.sel $0x180000  }
0xcd: {  	[bflag:$0x0] =	sbarrier.arrive $0xFFFF  }
0xce: {  	p0 =	sne.s32 s1, $0x0;
	_ =	strace $0x9000004A  }
0xcf: {  	s0 =	sadd.s32 @!p0 $0x100000, s0;
	[bflag:$0x2] =	sbarrier.arrive $0xFFFF  }
0xd0: {  	[sflag:s0] =	ssyncadd.tile.s32 @!p0 $0x1;
	_ =	shalt  }
.Lfunc_end2:
_tile_overlayer_lowered:
.L_overlay_start_2:
0xd1: {  	(tag) =	ssettag $0x2  }
0xd2: {  	s0 =	rddreg [dreg:$0x0];
	s2 =	stileid.u32  }
0xd3: {  	s1 =	rddreg [dreg:$0x1];
	p0 =	sne.s32 s2, $0x0  }
0xd4: {  	s3 =	rddreg [dreg:$0x2];
	[bflag:$0x3] =	sbarrier.arrive $0xFFFF;
	s2 =	simm.s32 @!p0 $0x1C03  }
0xd5: {  	[timem:s3], [sflag:s2] =	dma.local @!p0 [hbm:s0], s1  }
0xd6: {  	s0 =	simm.s32 @!p0 $0x3  }
0xd7: {  	_ =	swait.ge @!p0 [sflag:s0], s1  }
0xd8: {  	s1 =	ssub.s32 @!p0 $0x0, s1;
	[sflag:s0] =	ssyncset.done @!p0 $0x0  }
0xd9: {  	[sflag:s0] =	ssyncadd.s32 @!p0 s1  }
0xda: {  	[bflag:$0x3] =	sbarrier.arrive $0xFFFF  }
0xdb: {  	_ =	shalt  }

// kernel: kernel.9.cloned.1.call-start
scs
__scs_entry_jumppad:
0x0: {  	(pc) =	sbr.rel $0x88, $3  }
0x1: {  	(tag) =	ssettag $0x0;
	lr =	simm.s32 $0x1  }
0x2: {  	[smem:$0x3F9D] =	sst lr;
	_ =	strace $0xD0000000  }
0x3: {  	_ = 	snop  }
0x4: {  	_ = 	snop  }
0x5: {  	_ = 	snop  }
0x6: {  	_ = 	snop  }
0x7: {  	_ = 	snop  }
__scs_overlays_trampoline_lowered:
0x8: {  	[smem:$0x3FAC] =	sst s0  }
0x9: {  	[smem:$0x3FAD] =	sst s1  }
0xa: {  	[smem:$0x3FAE] =	sst s2  }
0xb: {  	[smem:$0x3FAF] =	sst s3  }
0xc: {  	[smem:$0x3FB0] =	sst s4  }
0xd: {  	[smem:$0x3FB1] =	sst s5  }
0xe: {  	[smem:$0x3FB2] =	sst s6  }
0xf: {  	[smem:$0x3FB3] =	sst s7  }
0x10: {  	[smem:$0x3FB4] =	sst s8  }
0x11: {  	[smem:$0x3FB5] =	sst s9;
	s0 =	simm.s32 @!p0 $0x0  }
0x12: {  	s1 =	sld [smem:$0x3F9B];
	s0 =	simm.s32 @p0 $0x1  }
0x13: {  	[smem:$0x3FB6] =	sst s0;
	s0 =	simm.s32 @!p1 $0x0  }
0x14: {  	s2 =	sld [smem:$0x3F9A];
	s0 =	simm.s32 @p1 $0x1  }
0x15: {  	[smem:$0x3FB7] =	sst s0;
	s0 =	simm.s32 @!p2 $0x0  }
0x16: {  	s3 =	sld [smem:$0x3FDB];
	s0 =	simm.s32 @p2 $0x1  }
0x17: {  	s4 =	simm.s32 $0x1BF5;
	[smem:$0x3FB9] =	sst s0  }
0x18: {  	s0 =	sld [smem:$0x3F9C];
	_ =	swait.ge [sflag:s4], $0x0  }
0x19: {  	s7 =	sld [smem:$0x3F9D]  }
0x1a: {  	s8 =	sadd.s32 $0xFFFFE003, lr  }
0x1b: {  	s9 =	sadd.s32 $0xFFFFFEF7, lr;
	s5 =	simm.s32 $0xFFFFFFFF;
	p2 =	slt.u32 s8, $0xFFFFF086  }
0x1c: {  	p1 =	slt.u32 s9, $0xF7A;
	s5 =	simm.s32 @!p2 $0x0  }
0x1d: {  	s5 =	simm.s32 @p1 $0x1;
	p0 =	seq.s32 s7, s2  }
0x1e: {  	s7 =	smul.u32 @!p0 $0xF7A, s2;
	p2 =	seq.s32 @!p0 s5, $0x0  }
0x1f: {  	s9 =	smul.u32 $0xF7A, s1;
	s8 =	simm.s32 @!p0 $0x1BF5;
	p2 =	por !p2, p0  }
0x20: {  	[sflag:s8] =	ssyncset.s32 @!p0 $0xFFFFF086;
	s6 =	sadd.s32 @!p0 s3, s7;
	s7 =	simm.s32 @!p0 $0x108  }
0x21: {  	s3 =	sadd.s32 s3, s9;
	s6 =	sadd.s32 @!p0 $0x88, s6;
	s7 =	simm.s32 @p2 $0x1082  }
0x22: {  	[simem:s7], [sflag:s8] =	dma.local @!p0 [hbm:s6], $0xF7A  }
0x23: {  	s9 =	sor.u32 $0xD0000000, s2;
	s6 =	simm.s32 $0x108;
	_ =	swait.ge @!p0 [sflag:s8], $0x0  }
0x24: {  	s3 =	sadd.s32 $0x88, s3;
	s6 =	simm.s32 @!p1 $0x1082;
	[sflag:s4] =	ssyncset.s32 $0xFFFFF086  }
0x25: {  	[simem:s6], [sflag:s4] =	dma.local [hbm:s3], $0xF7A  }
0x26: {  	[smem:$0x3F9D] =	sst s1;
	(tag) =	ssettag s2;
	_ =	strace s9  }
0x27: {  	s1 =	sld [smem:$0x3FAD]  }
0x28: {  	s2 =	sld [smem:$0x3FAE]  }
0x29: {  	s4 =	sld [smem:$0x3FB0]  }
0x2a: {  	p0 =	seq.s32 s5, $0x0;
	s5 =	sld [smem:$0x3FB1]  }
0x2b: {  	s6 =	sld [smem:$0x3FB2]  }
0x2c: {  	s7 =	sld [smem:$0x3FB3]  }
0x2d: {  	s3 =	simm.s32 $0x108;
	s8 =	sld [smem:$0x3FB4]  }
0x2e: {  	s3 =	simm.s32 @!p0 $0x1082;
	s9 =	sld [smem:$0x3FB5]  }
0x2f: {  	lr =	sadd.s32 s0, s3;
	s0 =	sld [smem:$0x3FAC]  }
0x30: {  	s3 =	sld [smem:$0x3FAF]  }
0x31: {  	[smem:$0x3FB8] =	sst s10  }
0x32: {  	s10 =	sld [smem:$0x3FB6];
	_ =	sdelay $0x3  }
0x33: {  	p0 =	seq.s32 s10, $0x1;
	s10 =	sld [smem:$0x3FB8];
	_ =	sdelay $0x3  }
0x34: {  	[smem:$0x3FB8] =	sst s10  }
0x35: {  	s10 =	sld [smem:$0x3FB7];
	_ =	sdelay $0x3  }
0x36: {  	p1 =	seq.s32 s10, $0x1;
	s10 =	sld [smem:$0x3FB8];
	_ =	sdelay $0x3  }
0x37: {  	[smem:$0x3FB8] =	sst s10  }
0x38: {  	s10 =	sld [smem:$0x3FB9]  }
0x39: {  	_ = 	snop;
	(pc) =	sbr.ind lr, $3  }
0x3a: {  	_ = 	snop  }
0x3b: {  	_ = 	snop  }
0x3c: {  	p2 =	seq.s32 s10, $0x1;
	s10 =	sld [smem:$0x3FB8]  }
0x3d: {  	_ =	shalt  }
0x3e: {  	_ =	shalt  }
0x3f: {  	_ =	shalt  }
0x40: {  	_ =	shalt  }
0x41: {  	_ =	shalt  }
0x42: {  	_ =	shalt  }
0x43: {  	_ =	shalt  }
0x44: {  	_ =	shalt  }
0x45: {  	_ =	shalt  }
0x46: {  	_ =	shalt  }
0x47: {  	_ =	shalt  }
0x48: {  	_ =	shalt  }
0x49: {  	_ =	shalt  }
0x4a: {  	_ =	shalt  }
0x4b: {  	_ =	shalt  }
0x4c: {  	_ =	shalt  }
0x4d: {  	_ =	shalt  }
0x4e: {  	_ =	shalt  }
0x4f: {  	_ =	shalt  }
0x50: {  	_ =	shalt  }
0x51: {  	_ =	shalt  }
0x52: {  	_ =	shalt  }
0x53: {  	_ =	shalt  }
0x54: {  	_ =	shalt  }
0x55: {  	_ =	shalt  }
0x56: {  	_ =	shalt  }
0x57: {  	_ =	shalt  }
0x58: {  	_ =	shalt  }
0x59: {  	_ =	shalt  }
0x5a: {  	_ =	shalt  }
0x5b: {  	_ =	shalt  }
0x5c: {  	_ =	shalt  }
0x5d: {  	_ =	shalt  }
0x5e: {  	_ =	shalt  }
0x5f: {  	_ =	shalt  }
0x60: {  	_ =	shalt  }
0x61: {  	_ =	shalt  }
0x62: {  	_ =	shalt  }
0x63: {  	_ =	shalt  }
0x64: {  	_ =	shalt  }
0x65: {  	_ =	shalt  }
0x66: {  	_ =	shalt  }
0x67: {  	_ =	shalt  }
0x68: {  	_ =	shalt  }
0x69: {  	_ =	shalt  }
0x6a: {  	_ =	shalt  }
0x6b: {  	_ =	shalt  }
0x6c: {  	_ =	shalt  }
0x6d: {  	_ =	shalt  }
0x6e: {  	_ =	shalt  }
0x6f: {  	_ =	shalt  }
0x70: {  	_ =	shalt  }
0x71: {  	_ =	shalt  }
0x72: {  	_ =	shalt  }
0x73: {  	_ =	shalt  }
0x74: {  	_ =	shalt  }
0x75: {  	_ =	shalt  }
0x76: {  	_ =	shalt  }
0x77: {  	_ =	shalt  }
0x78: {  	_ =	shalt  }
0x79: {  	_ =	shalt  }
0x7a: {  	_ =	shalt  }
0x7b: {  	_ =	shalt  }
0x7c: {  	_ =	shalt  }
0x7d: {  	_ =	shalt  }
0x7e: {  	_ =	shalt  }
0x7f: {  	_ =	shalt  }
0x80: {  	_ =	shalt  }
0x81: {  	_ =	shalt  }
0x82: {  	_ =	shalt  }
0x83: {  	_ =	shalt  }
0x84: {  	_ =	shalt  }
0x85: {  	_ =	shalt  }
0x86: {  	_ =	shalt  }
0x87: {  	_ =	shalt  }
.Lfunc_end0:
.L_simem_size_0:
called_computation.1_lowered:
.L_overlay_start_0:
0x88: {  	s2 =	sld [smem:$0x3FD9]  }
0x89: {  	s3 =	sld [smem:$0x3FFE];
	_ =	sdelay $0x1  }
0x8a: {  	s1 =	srdreg.scid  }
0x8b: {  	s0 =	sand.u32 $0x1, s1  }
0x8c: {  	s17 =	sshll.u32 s0, $0xA;
	s2 =	sadd.s32 s3, s2  }
0x8d: {  	s2 =	sadd.s32 s2, s17  }
0x8e: {  	[smem:$0x3FC4] =	sst s2  }
0x8f: {  	_ = 	snop  }
0x90: {  	s2 =	sld [smem:$0x3FC6]  }
0x91: {  	s18 =	sld [smem:$0x3FD0];
	(tm) =	ssettm $0x1  }
0x92: {  	s4 =	sld [smem:$0x3FFB];
	_ =	sdelay $0x3  }
0x93: {  	_ =	strace s4  }
0x94: {  	s4 =	sld [smem:$0x3FFC];
	_ =	sdelay $0x3  }
0x95: {  	_ =	strace s4  }
0x96: {  	s4 =	sld [smem:$0x3FFD];
	_ =	sdelay $0x3  }
0x97: {  	_ =	strace s4  }
0x98: {  	_ =	strace $0x8FFFFFFF  }
0x99: {  	s19 =	sld [smem:$0x3FDB];
	_ =	sdelay $0x1  }
0x9a: {  	s5 =	simm.s32 $_scs_section_size  }
0x9b: {  	s6 =	simm.s32 $_size__tile_overlayer_lowered;
	s7 =	simm.s32 $_tile_overlayer_lowered  }
0x9c: {  	s22 =	simm.s32 $0x1BFF;
	s21 =	sshll.u32 s7, $0x1;
	s4 =	sadd.s32 s5, s19  }
0x9d: {  	s8 =	simm.s32 $0x0;
	s20 =	sshll.u32 s6, $0x1;
	s6 =	sadd.s32 s21, s4  }
0x9e: {  	[timem:s8], [sflag:s22] =	dma.local [hbm:s6], s20  }
0x9f: {  	_ =	swait.ge [sflag:s22], s20  }
0xa0: {  	s5 =	ssub.s32 $0x0, s20;
	[sflag:s22] =	ssyncset.done $0x0  }
0xa1: {  	[sflag:s22] =	ssyncadd.s32 s5;
	_ =	sdelay $0x1  }
0xa2: {  	s23 =	simm.s32 $0x1B8B  }
0xa3: {  	_ =	swait.ge [sflag:s23], $0x1  }
0xa4: {  	[sflag:s23] =	ssyncset.done $0x0  }
0xa5: {  	s25 =	simm.s32 $0x1B8E;
	s24 =	sld [smem:$0x3FFE];
	[sflag:s23] =	ssyncadd.s32 $0xFFFFFFFF  }
0xa6: {  	s26 =	simm.s32 $execute0_lowered;
	[smem:$0x3FD2] =	sst s25  }
0xa7: {  	s6 =	sshll.u32 s26, $0x1;
	_ =	strace $0x80000046;
	[dreg:$0x1] =	wrdreg $0xFFFFFFFF  }
0xa8: {  	s28 =	simm.s32 $_size_execute0_lowered;
	s4 =	sadd.s32 s4, s6;
	[dreg:$0x0] =	wrdreg $0x0  }
0xa9: {  	s6 =	sshll.u32 s28, $0x1;
	[dreg:$0x2] =	wrdreg s4  }
0xaa: {  	[dreg:$0x3] =	wrdreg s6  }
0xab: {  	[dreg:$0x4] =	wrdreg $0xC0  }
0xac: {  	_ =	task [dreg:s8], $0x5FFFF  }
0xad: {  	[dreg:$0x1] =	wrdreg $0xFFFFFFFF  }
0xae: {  	[dreg:$0x0] =	wrdreg $0x60  }
0xaf: {  	[dreg:$0x2] =	wrdreg s2  }
0xb0: {  	[dreg:$0x3] =	wrdreg s18  }
0xb1: {  	[dreg:$0x4] =	wrdreg s24  }
0xb2: {  	[dreg:$0x5] =	wrdreg $0xA  }
0xb3: {  	_ =	task.clear_ibuf [dreg:s8], $0x6FFFF;
	_ =	strace $0x90000046  }
0xb4: {  	s29 =	simm.s32 $0xA;
	_ =	strace $0x80000048  }
0xb5: {  	_ =	swait.ge [sflag:s29], $0x1  }
0xb6: {  	[sflag:s29] =	ssyncadd.s32 $0xFFFFFFFF  }
0xb7: {  	_ =	strace $0x90000048  }
0xb8: {  	_ =	sfence  }
0xb9: {  	s30 =	sld [smem:$0x0];
	_ =	sdelay $0x2  }
0xba: {  	s31 =	sshll.u32 s1, $0xD;
	s1 =	sshrl.u32 s1, $0x2  }
0xbb: {  	s3 =	sand.u32 $0x4000, s31;
	s1 =	sadd.s32 s1, s30  }
0xbc: {  	s0 =	sor.u32 s3, s0;
	s1 =	sshll.u32 s1, $0x11  }
0xbd: {  	s0 =	sor.u32 s1, s0  }
0xbe: {  	s0 =	sadd.s32 $0x8F2B, s0  }
0xbf: {  	[sflag:s0] =	ssyncadd.remote.s32 $0x1  }
0xc0: {  	_ =	sfence.sel $0xFFFF  }
0xc1: {  	[dreg:$0x0] =	wrdreg $0xFFFFFFFF;
	(pc) =	sbr.abs _section_cstart, $3  }
0xc2: {  	[dreg:$0x1] =	wrdreg $0xFFFFFFFF  }
0xc3: {  	_ =	task.clear_ibuf [dreg:s8], $0x2FFFF;
	_ =	strace $0x9FFFFFFF  }
0xc4: {  	(tm) =	ssettm $0x7FFFFFFF  }
0xc5: {  	_ =	shalt  }
tec
execute0_lowered:
.L_overlay_start_1:
0x0: {  	(tag) =	ssettag $0x1  }
0x1: {  	s4 =	rddreg [dreg:$0x0]  }
0x2: {  	s5 =	rddreg [dreg:$0x1]  }
0x3: {  	s3 =	rddreg [dreg:$0x2]  }
0x4: {  	s0 =	rddreg [dreg:$0x3];
	s6 =	srdreg.scid  }
0x5: {  	s2 =	simm.s32 $0x0;
	s1 =	stileid.u32;
	s11 =	simm.s32 $0x2000  }
0x6: {  	s12 =	simm.s32 $0x4100;
	s13 =	simm.s32 $0x80;
	s14 =	simm.s32 $0x400  }
0x7: {  	s15 =	simm.s32 $0x5100;
	s16 =	simm.s32 $0x1;
	s17 =	simm.s32 $0x2  }
0x8: {  	s18 =	simm.s32 $0x0;
	s7 =	sand.u32 $0x1, s6;
	[smem:$0x7FF] =	sst s2  }
0x9: {  	s26 =	sshll.u32 s1, $0x7;
	s3 =	sadd.s32 $0xE00, s3;
	s30 =	sshll.u32 s1, $0x10  }
0xa: {  	s8 =	sshll.u32 s7, $0x6;
	_ =	strace $0x80000047;
	s9 =	ssub.s32 $0x2, s7  }
0xb: {  	s31 =	sshll.u32 s7, $0xF;
	s6 =	sor.u32 s8, s26;
	s28 =	sshrl.u32 s9, $0x1  }
0xc: {  	s10 =	sor.u32 $0x800, s6;
	s8 =	ssub.s32 s9, s28;
	s6 =	sshll.u32 s6, $0x9  }
0xd: {  	s9 =	sor.u32 s31, s30;
	s29 =	sshll.u32 s10, $0x4;
	s10 =	sshrl.u32 s10, $0x1  }
0xe: {  	s6 =	sadd.s32 s3, s6;
	s8 =	smax.u32 s8, $0x1;
	s4 =	sadd.s32 s4, s29  }
0xf: {  	v0 =	vimm.f32 $0.0e+00;
	s5 =	sadd.s32 s5, s10;
	s7 =	sadd.s32 $0x10, s6;
	s10 =	simm.s32 $0x3  }
.LBB2_1:
0x10: {  	[tilespmem:s2], [sflag:$0x3] =	stream.linear.gather [hbm4b:s4+s2], $0x2000, $0x38;
	[tilespmem:$0x6100] =	vst v63  }
0x11: {  	_ =	swait.ge [sflag:s10], $0x2000  }
0x12: {  	[sflag:s10] =	ssyncset.done $0x0  }
0x13: {  	v1 =	vmov s2;
	[sflag:s10] =	ssyncadd.s32 $0xFFFFE000  }
0x14: {  	[tilespmem:s11], [sflag:$0x3] =	stream.linear.gather [hbm4b:s5+s2], $0x100, $0x38;
	[tilespmem:$0x6100] =	vst v63  }
0x15: {  	_ =	swait.ge [sflag:s10], $0x100  }
0x16: {  	[sflag:s10] =	ssyncset.done $0x0  }
0x17: {  	[sflag:s10] =	ssyncadd.s32 $0xFFFFFF00  }
0x18: {  	v1 =	vld.idx.msk [tilespmem:v1+s11+$0x0], $0xffff  }
0x19: {  	s19 =	simm.s32 $0x1  }
0x1a: {  	v2 =	vmov s19;
	_ =	sdelay $0x1  }
0x1b: {  	s19 =	simm.s32 $0x2110  }
0x1c: {  	[tilespmem:s19+$0xFFFFFFF0] =	vst v1  }
0x1d: {  	[tilespmem:s19+$0x0] =	vst v1  }
0x1e: {  	v1 =	vld.idx.msk [tilespmem:v2+s11+$0x0], $0xffff  }
0x1f: {  	s20 =	simm.s32 $0x2  }
0x20: {  	v2 =	vmov s20;
	s20 =	simm.s32 $0x3  }
.LBB2_2:
0x21: {  	p0 =	sne.s32 s20, $0xFF  }
0x22: {  	s19 =	sadd.s32 $0x20, s19  }
0x23: {  	[tilespmem:s19+$0xFFFFFFF0] =	vst v1  }
.Ltmp0:
0x24: {  	[tilespmem:s19+$0x0] =	vst v1;
	(pc) =	sbr.rel @p0 .LBB2_2-.Ltmp0, $2  }
0x25: {  	v1 =	vld.idx.msk [tilespmem:v2+s11+$0x0], $0xffff;
	_ =	sdelay $0x2  }
0x26: {  	v2 =	vmov s20;
	s20 =	sadd.s32 $0x1, s20  }
0x27: {  	_ = 	snop  }
0x28: {  	s19 =	sadd.s32 $0x20, s19  }
0x29: {  	[tilespmem:s19+$0xFFFFFFF0] =	vst v1  }
0x2a: {  	[tilespmem:s19+$0x0] =	vst v1  }
0x2b: {  	v1 =	vld.idx.msk [tilespmem:v2+s11+$0x0], $0xffff;
	_ =	sdelay $0x3  }
0x2c: {  	s19 =	sadd.s32 $0x20, s19  }
0x2d: {  	[tilespmem:s19+$0xFFFFFFF0] =	vst v1  }
0x2e: {  	s20 =	simm.s32 $0x0;
	[tilespmem:s19+$0x0] =	vst v1;
	s19 =	simm.s32 $0x40  }
.LBB2_4:
0x2f: {  	p0 =	sne.s32 s19, $0x3FC0;
	[tilespmem:s20+$0x4100] =	vst v0;
	s21 =	smov.u32 s19;
	s19 =	sadd.s32 $0x40, s19  }
.Ltmp1:
0x30: {  	[tilespmem:s20+$0x5100] =	vst v0;
	(pc) =	sbr.rel @p0 .LBB2_4-.Ltmp1, $2  }
0x31: {  	_ =	sdelay $0x2  }
0x32: {  	s20 =	sshra.s32 s21, $0x2  }
0x33: {  	[tilespmem:s20+$0x4100] =	vst v0  }
0x34: {  	[tilespmem:s20+$0x5100] =	vst v0  }
0x35: {  	v1 =	vld [tilespmem:$0x0];
	_ =	sdelay $0x2  }
0x36: {  	v2 =	vld [tilespmem:$0x2100];
	_ =	sdelay $0x4  }
0x37: {  	[tilespmem:v1+s12+$0x0] =	vst.idx.add.f32.msk $0xffff, v2  }
0x38: {  	v1 =	vld [tilespmem:$0x10];
	_ =	sdelay $0x2  }
0x39: {  	v2 =	vld [tilespmem:$0x2110];
	_ =	sdelay $0x4  }
0x3a: {  	[tilespmem:v1+s12+$0x0] =	vst.idx.add.f32.msk $0xffff, v2  }
0x3b: {  	v1 =	vld [tilespmem:$0x20];
	_ =	sdelay $0x2  }
0x3c: {  	v2 =	vld [tilespmem:$0x2120];
	_ =	sdelay $0x4  }
0x3d: {  	[tilespmem:v1+s12+$0x0] =	vst.idx.add.f32.msk $0xffff, v2  }
0x3e: {  	v1 =	vld [tilespmem:$0x30];
	_ =	sdelay $0x2  }
0x3f: {  	v2 =	vld [tilespmem:$0x2130];
	_ =	sdelay $0x4  }
0x40: {  	[tilespmem:v1+s12+$0x0] =	vst.idx.add.f32.msk $0xffff, v2  }
0x41: {  	v1 =	vld [tilespmem:$0x40];
	_ =	sdelay $0x2  }
0x42: {  	v2 =	vld [tilespmem:$0x2140];
	_ =	sdelay $0x4  }
0x43: {  	[tilespmem:v1+s12+$0x0] =	vst.idx.add.f32.msk $0xffff, v2  }
0x44: {  	v1 =	vld [tilespmem:$0x50];
	_ =	sdelay $0x2  }
0x45: {  	v2 =	vld [tilespmem:$0x2150];
	_ =	sdelay $0x4  }
0x46: {  	[tilespmem:v1+s12+$0x0] =	vst.idx.add.f32.msk $0xffff, v2  }
0x47: {  	v1 =	vld [tilespmem:$0x60];
	_ =	sdelay $0x2  }
0x48: {  	v2 =	vld [tilespmem:$0x2160];
	_ =	sdelay $0x4  }
0x49: {  	[tilespmem:v1+s12+$0x0] =	vst.idx.add.f32.msk $0xffff, v2  }
0x4a: {  	v1 =	vld [tilespmem:$0x70];
	_ =	sdelay $0x2  }
0x4b: {  	v2 =	vld [tilespmem:$0x2170];
	_ =	sdelay $0x4  }
0x4c: {  	[tilespmem:v1+s12+$0x0] =	vst.idx.add.f32.msk $0xffff, v2  }
0x4d: {  	[hbm4b:s6+s13] =	stream.strided.scatter [tilespmem:s12], [sflag:$0x1], $0x1000, s14, s13, $0x38;
	[tilespmem:$0x6100] =	vst v63  }
0x4e: {  	v1 =	vld [tilespmem:$0x80];
	_ =	sdelay $0x2  }
0x4f: {  	v2 =	vld [tilespmem:$0x2180];
	_ =	sdelay $0x4  }
0x50: {  	[tilespmem:v1+s15+$0x0] =	vst.idx.add.f32.msk $0xffff, v2  }
0x51: {  	v1 =	vld [tilespmem:$0x90];
	_ =	sdelay $0x2  }
0x52: {  	v2 =	vld [tilespmem:$0x2190];
	_ =	sdelay $0x4  }
0x53: {  	[tilespmem:v1+s15+$0x0] =	vst.idx.add.f32.msk $0xffff, v2  }
0x54: {  	v1 =	vld [tilespmem:$0xA0];
	_ =	sdelay $0x2  }
0x55: {  	v2 =	vld [tilespmem:$0x21A0];
	_ =	sdelay $0x4  }
0x56: {  	[tilespmem:v1+s15+$0x0] =	vst.idx.add.f32.msk $0xffff, v2  }
0x57: {  	v1 =	vld [tilespmem:$0xB0];
	_ =	sdelay $0x2  }
0x58: {  	v2 =	vld [tilespmem:$0x21B0];
	_ =	sdelay $0x4  }
0x59: {  	[tilespmem:v1+s15+$0x0] =	vst.idx.add.f32.msk $0xffff, v2  }
0x5a: {  	v1 =	vld [tilespmem:$0xC0];
	_ =	sdelay $0x2  }
0x5b: {  	v2 =	vld [tilespmem:$0x21C0];
	_ =	sdelay $0x4  }
0x5c: {  	[tilespmem:v1+s15+$0x0] =	vst.idx.add.f32.msk $0xffff, v2  }
0x5d: {  	v1 =	vld [tilespmem:$0xD0];
	_ =	sdelay $0x2  }
0x5e: {  	v2 =	vld [tilespmem:$0x21D0];
	_ =	sdelay $0x4  }
0x5f: {  	[tilespmem:v1+s15+$0x0] =	vst.idx.add.f32.msk $0xffff, v2  }
0x60: {  	v1 =	vld [tilespmem:$0xE0];
	_ =	sdelay $0x2  }
0x61: {  	v2 =	vld [tilespmem:$0x21E0];
	_ =	sdelay $0x4  }
0x62: {  	[tilespmem:v1+s15+$0x0] =	vst.idx.add.f32.msk $0xffff, v2  }
0x63: {  	v1 =	vld [tilespmem:$0xF0];
	_ =	sdelay $0x2  }
0x64: {  	v2 =	vld [tilespmem:$0x21F0];
	_ =	sdelay $0x4  }
0x65: {  	s19 =	simm.s32 $0x0;
	s20 =	simm.s32 $0x30;
	[tilespmem:v1+s15+$0x0] =	vst.idx.add.f32.msk $0xffff, v2  }
0x66: {  	[hbm4b:s7+s13] =	stream.strided.scatter [tilespmem:s15], [sflag:$0x2], $0x1000, s14, s13, $0x38;
	[tilespmem:$0x6100] =	vst v63  }
.LBB2_6:
0x67: {  	_ =	swait.ge [sflag:s16], $0x1000  }
0x68: {  	[sflag:s16] =	ssyncset.done $0x0  }
0x69: {  	s21 =	sshra.s32 s19, $0x2;
	[sflag:s16] =	ssyncadd.s32 $0xFFFFF000  }
0x6a: {  	v1 =	vld [tilespmem:s21+$0x0];
	_ =	sdelay $0x7  }
0x6b: {  	[tilespmem:v1+s12+$0x0] =	vst.idx.msk $0xffff, v0  }
0x6c: {  	v1 =	vld [tilespmem:s21+$0x10];
	_ =	sdelay $0x7  }
0x6d: {  	[tilespmem:v1+s12+$0x0] =	vst.idx.msk $0xffff, v0  }
0x6e: {  	v1 =	vld [tilespmem:s21+$0x20];
	_ =	sdelay $0x7  }
0x6f: {  	[tilespmem:v1+s12+$0x0] =	vst.idx.msk $0xffff, v0  }
0x70: {  	v1 =	vld [tilespmem:s21+$0x30];
	_ =	sdelay $0x7  }
0x71: {  	[tilespmem:v1+s12+$0x0] =	vst.idx.msk $0xffff, v0  }
0x72: {  	v1 =	vld [tilespmem:s21+$0x40];
	_ =	sdelay $0x7  }
0x73: {  	[tilespmem:v1+s12+$0x0] =	vst.idx.msk $0xffff, v0  }
0x74: {  	v1 =	vld [tilespmem:s21+$0x50];
	_ =	sdelay $0x7  }
0x75: {  	[tilespmem:v1+s12+$0x0] =	vst.idx.msk $0xffff, v0  }
0x76: {  	v1 =	vld [tilespmem:s21+$0x60];
	_ =	sdelay $0x7  }
0x77: {  	[tilespmem:v1+s12+$0x0] =	vst.idx.msk $0xffff, v0  }
0x78: {  	v1 =	vld [tilespmem:s21+$0x70];
	_ =	sdelay $0x7  }
0x79: {  	[tilespmem:v1+s12+$0x0] =	vst.idx.msk $0xffff, v0  }
0x7a: {  	v1 =	vld [tilespmem:s21+$0x100];
	_ =	sdelay $0x2  }
0x7b: {  	v2 =	vld [tilespmem:s21+$0x2200];
	_ =	sdelay $0x4  }
0x7c: {  	[tilespmem:v1+s12+$0x0] =	vst.idx.add.f32.msk $0xffff, v2  }
0x7d: {  	v1 =	vld [tilespmem:s21+$0x110];
	_ =	sdelay $0x2  }
0x7e: {  	v2 =	vld [tilespmem:s21+$0x2210];
	_ =	sdelay $0x4  }
0x7f: {  	[tilespmem:v1+s12+$0x0] =	vst.idx.add.f32.msk $0xffff, v2  }
0x80: {  	v1 =	vld [tilespmem:s21+$0x120];
	_ =	sdelay $0x2  }
0x81: {  	v2 =	vld [tilespmem:s21+$0x2220];
	_ =	sdelay $0x4  }
0x82: {  	[tilespmem:v1+s12+$0x0] =	vst.idx.add.f32.msk $0xffff, v2  }
0x83: {  	v1 =	vld [tilespmem:s21+$0x130];
	_ =	sdelay $0x2  }
0x84: {  	v2 =	vld [tilespmem:s21+$0x2230];
	_ =	sdelay $0x4  }
0x85: {  	[tilespmem:v1+s12+$0x0] =	vst.idx.add.f32.msk $0xffff, v2  }
0x86: {  	v1 =	vld [tilespmem:s21+$0x140];
	_ =	sdelay $0x2  }
0x87: {  	v2 =	vld [tilespmem:s21+$0x2240];
	_ =	sdelay $0x4  }
0x88: {  	[tilespmem:v1+s12+$0x0] =	vst.idx.add.f32.msk $0xffff, v2  }
0x89: {  	v1 =	vld [tilespmem:s21+$0x150];
	_ =	sdelay $0x2  }
0x8a: {  	v2 =	vld [tilespmem:s21+$0x2250];
	_ =	sdelay $0x4  }
0x8b: {  	[tilespmem:v1+s12+$0x0] =	vst.idx.add.f32.msk $0xffff, v2  }
0x8c: {  	v1 =	vld [tilespmem:s21+$0x160];
	_ =	sdelay $0x2  }
0x8d: {  	v2 =	vld [tilespmem:s21+$0x2260];
	_ =	sdelay $0x4  }
0x8e: {  	[tilespmem:v1+s12+$0x0] =	vst.idx.add.f32.msk $0xffff, v2  }
0x8f: {  	v1 =	vld [tilespmem:s21+$0x170];
	_ =	sdelay $0x2  }
0x90: {  	v2 =	vld [tilespmem:s21+$0x2270];
	_ =	sdelay $0x1  }
0x91: {  	s22 =	sadd.s32 s19, s9;
	s23 =	sadd.s32 $0xFFFFFFF0, s20  }
0x92: {  	s24 =	sadd.s32 $0x400, s22;
	s23 =	sand.u32 $0x60, s23  }
0x93: {  	s24 =	sand.u32 $0x1FF000, s24;
	s23 =	sadd.s32 s3, s23  }
0x94: {  	s23 =	sadd.s32 s24, s23;
	[tilespmem:v1+s12+$0x0] =	vst.idx.add.f32.msk $0xffff, v2  }
0x95: {  	[hbm4b:s23+s13] =	stream.strided.scatter [tilespmem:s12], [sflag:$0x1], $0x1000, s14, s13, $0x38;
	[tilespmem:$0x6100] =	vst v63  }
0x96: {  	_ =	swait.ge [sflag:s17], $0x1000  }
0x97: {  	[sflag:s17] =	ssyncset.done $0x0  }
0x98: {  	[sflag:s17] =	ssyncadd.s32 $0xFFFFF000  }
0x99: {  	v1 =	vld [tilespmem:s21+$0x80];
	_ =	sdelay $0x7  }
0x9a: {  	[tilespmem:v1+s15+$0x0] =	vst.idx.msk $0xffff, v0  }
0x9b: {  	v1 =	vld [tilespmem:s21+$0x90];
	_ =	sdelay $0x7  }
0x9c: {  	[tilespmem:v1+s15+$0x0] =	vst.idx.msk $0xffff, v0  }
0x9d: {  	v1 =	vld [tilespmem:s21+$0xA0];
	_ =	sdelay $0x7  }
0x9e: {  	[tilespmem:v1+s15+$0x0] =	vst.idx.msk $0xffff, v0  }
0x9f: {  	v1 =	vld [tilespmem:s21+$0xB0];
	_ =	sdelay $0x7  }
0xa0: {  	[tilespmem:v1+s15+$0x0] =	vst.idx.msk $0xffff, v0  }
0xa1: {  	v1 =	vld [tilespmem:s21+$0xC0];
	_ =	sdelay $0x7  }
0xa2: {  	[tilespmem:v1+s15+$0x0] =	vst.idx.msk $0xffff, v0  }
0xa3: {  	v1 =	vld [tilespmem:s21+$0xD0];
	_ =	sdelay $0x7  }
0xa4: {  	[tilespmem:v1+s15+$0x0] =	vst.idx.msk $0xffff, v0  }
0xa5: {  	v1 =	vld [tilespmem:s21+$0xE0];
	_ =	sdelay $0x7  }
0xa6: {  	[tilespmem:v1+s15+$0x0] =	vst.idx.msk $0xffff, v0  }
0xa7: {  	v1 =	vld [tilespmem:s21+$0xF0];
	_ =	sdelay $0x7  }
0xa8: {  	[tilespmem:v1+s15+$0x0] =	vst.idx.msk $0xffff, v0  }
0xa9: {  	v1 =	vld [tilespmem:s21+$0x180];
	_ =	sdelay $0x2  }
0xaa: {  	v2 =	vld [tilespmem:s21+$0x2280];
	_ =	sdelay $0x4  }
0xab: {  	[tilespmem:v1+s15+$0x0] =	vst.idx.add.f32.msk $0xffff, v2  }
0xac: {  	v1 =	vld [tilespmem:s21+$0x190];
	_ =	sdelay $0x2  }
0xad: {  	v2 =	vld [tilespmem:s21+$0x2290];
	_ =	sdelay $0x4  }
0xae: {  	[tilespmem:v1+s15+$0x0] =	vst.idx.add.f32.msk $0xffff, v2  }
0xaf: {  	v1 =	vld [tilespmem:s21+$0x1A0];
	_ =	sdelay $0x2  }
0xb0: {  	v2 =	vld [tilespmem:s21+$0x22A0];
	_ =	sdelay $0x4  }
0xb1: {  	[tilespmem:v1+s15+$0x0] =	vst.idx.add.f32.msk $0xffff, v2  }
0xb2: {  	v1 =	vld [tilespmem:s21+$0x1B0];
	_ =	sdelay $0x2  }
0xb3: {  	v2 =	vld [tilespmem:s21+$0x22B0];
	_ =	sdelay $0x4  }
0xb4: {  	[tilespmem:v1+s15+$0x0] =	vst.idx.add.f32.msk $0xffff, v2  }
0xb5: {  	v1 =	vld [tilespmem:s21+$0x1C0];
	_ =	sdelay $0x2  }
0xb6: {  	v2 =	vld [tilespmem:s21+$0x22C0];
	_ =	sdelay $0x4  }
0xb7: {  	[tilespmem:v1+s15+$0x0] =	vst.idx.add.f32.msk $0xffff, v2  }
0xb8: {  	v1 =	vld [tilespmem:s21+$0x1D0];
	_ =	sdelay $0x2  }
0xb9: {  	v2 =	vld [tilespmem:s21+$0x22D0];
	_ =	sdelay $0x4  }
0xba: {  	[tilespmem:v1+s15+$0x0] =	vst.idx.add.f32.msk $0xffff, v2  }
0xbb: {  	v1 =	vld [tilespmem:s21+$0x1E0];
	_ =	sdelay $0x2  }
0xbc: {  	v2 =	vld [tilespmem:s21+$0x22E0];
	_ =	sdelay $0x4  }
0xbd: {  	[tilespmem:v1+s15+$0x0] =	vst.idx.add.f32.msk $0xffff, v2  }
0xbe: {  	v1 =	vld [tilespmem:s21+$0x1F0];
	_ =	sdelay $0x2  }
0xbf: {  	v2 =	vld [tilespmem:s21+$0x22F0]  }
0xc0: {  	p0 =	sne.s32 s19, $0x7800  }
.Ltmp2:
0xc1: {  	_ = 	snop;
	(pc) =	sbr.rel @p0 .LBB2_6-.Ltmp2, $4  }
0xc2: {  	s31 =	sand.u32 $0x70, s20;
	s30 =	sadd.s32 $0x600, s22  }
0xc3: {  	s22 =	sadd.s32 s3, s31;
	s21 =	sand.u32 $0x1FF000, s30  }
0xc4: {  	s20 =	sadd.s32 $0x20, s20;
	s19 =	sadd.s32 $0x400, s19;
	s21 =	sadd.s32 s21, s22;
	[tilespmem:v1+s15+$0x0] =	vst.idx.add.f32.msk $0xffff, v2  }
0xc5: {  	[hbm4b:s21+s13] =	stream.strided.scatter [tilespmem:s15], [sflag:$0x2], $0x1000, s14, s13, $0x38;
	[tilespmem:$0x6100] =	vst v63  }
0xc6: {  	s18 =	sadd.s32 $0x1, s18  }
0xc7: {  	_ =	swait.ge [sflag:s16], $0x1000;
	p0 =	sne.s32 s18, s8  }
.Ltmp3:
0xc8: {  	[sflag:s16] =	ssyncset.done $0x0;
	(pc) =	sbr.rel @p0 .LBB2_1-.Ltmp3, $4  }
0xc9: {  	[sflag:s16] =	ssyncadd.s32 $0xFFFFF000  }
0xca: {  	_ =	swait.ge [sflag:s17], $0x1000  }
0xcb: {  	[sflag:s17] =	ssyncset.done $0x0  }
0xcc: {  	[sflag:s17] =	ssyncadd.s32 $0xFFFFF000  }
0xcd: {  	_ =	sfence.sel $0x180000  }
0xce: {  	[bflag:$0x0] =	sbarrier.arrive $0xFFFF  }
0xcf: {  	p0 =	sne.s32 s1, $0x0;
	_ =	strace $0x90000047  }
0xd0: {  	s0 =	sadd.s32 @!p0 $0x100000, s0;
	[bflag:$0x2] =	sbarrier.arrive $0xFFFF  }
0xd1: {  	[sflag:s0] =	ssyncadd.tile.s32 @!p0 $0x1;
	_ =	shalt  }
.Lfunc_end2:
_tile_overlayer_lowered:
.L_overlay_start_2:
0xd2: {  	(tag) =	ssettag $0x2  }
0xd3: {  	s0 =	rddreg [dreg:$0x0];
	s2 =	stileid.u32  }
0xd4: {  	s1 =	rddreg [dreg:$0x1];
	p0 =	sne.s32 s2, $0x0  }
0xd5: {  	s3 =	rddreg [dreg:$0x2];
	[bflag:$0x3] =	sbarrier.arrive $0xFFFF;
	s2 =	simm.s32 @!p0 $0x1C03  }
0xd6: {  	[timem:s3], [sflag:s2] =	dma.local @!p0 [hbm:s0], s1  }
0xd7: {  	s0 =	simm.s32 @!p0 $0x3  }
0xd8: {  	_ =	swait.ge @!p0 [sflag:s0], s1  }
0xd9: {  	s1 =	ssub.s32 @!p0 $0x0, s1;
	[sflag:s0] =	ssyncset.done @!p0 $0x0  }
0xda: {  	[sflag:s0] =	ssyncadd.s32 @!p0 s1  }
0xdb: {  	[bflag:$0x3] =	sbarrier.arrive $0xFFFF  }
0xdc: {  	_ =	shalt  }

</sc_bundles>
